<compile_context>
chip_gen: v7x
topology: tpu7x:2x2x1
jax: 0.10.2.dev20260603
libtpu: 0.0.44.dev20260713+nightly
codegen_flags: <defaults>
</compile_context>

<pallas_src>
import functools

import jax
import jax.numpy as jnp
from jax import lax
from jax.experimental import pallas as pl
from jax.experimental.pallas import tpu as pltpu
from jax.experimental.pallas import tpu_sc as plsc

VOCAB = 100000
D = 2048
B_TOKENS = 4 * 2048

_info = plsc.get_sparse_core_info()
NC = _info.num_cores
NS = _info.num_subcores
NW = NC * NS
ROWS_PER_W = B_TOKENS // NW
K = 16
NCHUNK = ROWS_PER_W // K
NBUF = 3

_mesh = plsc.VectorSubcoreMesh(core_axis_name="c", subcore_axis_name="s")


@functools.partial(
    pl.kernel,
    mesh=_mesh,
    out_type=jax.ShapeDtypeStruct((B_TOKENS, D), jnp.float32),
    scratch_types=[
        pltpu.VMEM((ROWS_PER_W,), jnp.int32),
        pltpu.VMEM((K, D), jnp.float32),
        pltpu.VMEM((K, D), jnp.float32),
        pltpu.VMEM((K, D), jnp.float32),
        pltpu.SemaphoreType.DMA,
        pltpu.SemaphoreType.DMA,
        pltpu.SemaphoreType.DMA,
        pltpu.SemaphoreType.DMA,
        pltpu.SemaphoreType.DMA,
        pltpu.SemaphoreType.DMA,
    ],
)
def _gather_rows(table_hbm, idx_hbm, out_hbm, idx_v, buf0, buf1, buf2,
                 gsem0, gsem1, gsem2, wsem0, wsem1, wsem2):
    wid = lax.axis_index("s") * NC + lax.axis_index("c")
    base = wid * ROWS_PER_W
    WPB = 2048 // ROWS_PER_W
    pltpu.sync_copy(
        idx_hbm.at[wid // WPB, pl.ds((wid % WPB) * ROWS_PER_W, ROWS_PER_W)],
        idx_v)

    bufs = (buf0, buf1, buf2)
    gsems = (gsem0, gsem1, gsem2)
    wsems = (wsem0, wsem1, wsem2)

    for j in range(NBUF):
        pltpu.async_copy(table_hbm.at[idx_v.at[pl.ds(j * K, K)]], bufs[j], gsems[j])

    for j in range(NCHUNK):
        b = j % NBUF
        pltpu.make_async_copy(table_hbm.at[idx_v.at[pl.ds(j * K, K)]], bufs[b],
                              gsems[b]).wait()
        pltpu.async_copy(bufs[b], out_hbm.at[pl.ds(base + j * K, K)],
                         wsems[b])
        jj = j - 1 + NBUF
        if j >= 1 and jj < NCHUNK:
            bb = (j - 1) % NBUF
            pltpu.make_async_copy(
                bufs[bb], out_hbm.at[pl.ds(base + (j - 1) * K, K)],
                wsems[bb]).wait()
            pltpu.async_copy(table_hbm.at[idx_v.at[pl.ds(jj * K, K)]], bufs[bb],
                             gsems[bb])

    for j in range(NCHUNK - NBUF, NCHUNK):
        b = j % NBUF
        pltpu.make_async_copy(bufs[b], out_hbm.at[pl.ds(base + j * K, K)],
                              wsems[b]).wait()


def kernel(prompt_completion_ids, attention_mask, weight):
    flat = _gather_rows(weight, prompt_completion_ids)
    hidden_states = flat.reshape(prompt_completion_ids.shape + (D,))
    return (hidden_states, attention_mask)

# --- scband reference (transcript-rebuilt; emitter-appended) ---
"""Pipeline reference for scband-pre-embedding-pipe-layer-48275432407495 (READ-ONLY COPY).

The authoritative reference and input builder live on the scoring server;
editing this copy changes nothing except your own understanding.
"""

import jax, jax.numpy as jnp
import numpy as np

VOCAB = 100000
D_MODEL = 2048
N_HEADS = 16
HEAD_DIM = D_MODEL // N_HEADS  # 128
ROPE_BASE = 10000.0
BATCH = 4
SEQ = 2048


def setup_inputs(seed: int = 0) -> dict:
    key = jax.random.key(seed)
    k1, k2 = jax.random.split(key)
    prompt_completion_ids = jax.random.randint(k1, (BATCH, SEQ), 0, VOCAB, dtype=jnp.int32)
    attention_mask = jnp.ones((BATCH, SEQ), dtype=jnp.float32)
    weight = jax.random.normal(k2, (VOCAB, D_MODEL), dtype=jnp.float32) * 0.02
    return {
        "prompt_completion_ids": prompt_completion_ids,
        "attention_mask": attention_mask,
        "weight": weight,
    }


def _rotary(position_ids):
    # Qwen2RotaryEmbedding: inv_freq over head_dim, concat(freqs, freqs), cos/sin
    inv_freq = 1.0 / (ROPE_BASE ** (jnp.arange(0, HEAD_DIM, 2, dtype=jnp.float32) / HEAD_DIM))
    freqs = position_ids.astype(jnp.float32)[..., None] * inv_freq[None, None, :]
    emb = jnp.concatenate([freqs, freqs], axis=-1)
    return jnp.cos(emb), jnp.sin(emb)


def reference(prompt_completion_ids, attention_mask, weight):
    # inputs_embeds = embed_tokens(prompt_completion_ids)
    inputs_embeds = jnp.take(weight, prompt_completion_ids, axis=0)
    seq_len = inputs_embeds.shape[1]
    cache_position = jnp.arange(0, seq_len)
    position_ids = cache_position[None, :]
    causal_mask = attention_mask
    hidden_states = inputs_embeds
    # position_embeddings computed but unused in return (faithful to original)
    cos, sin = _rotary(position_ids)
    _ = (cos, sin)
    return (hidden_states, causal_mask)

if __name__ == "__main__":
    import jax
    _d = setup_inputs()
    print(jax.jit(kernel)(*tuple(_d.values())))

</pallas_src>

<mosaic_0001>
#map = affine_map<(d0, d1) -> (0, 0)>
module attributes {stable_mosaic.version = 14 : i64} {
  func.func @_gather_rows(%arg0: i32, %arg1: i32, %arg2: memref<100000x2048xf32, #tpu.memory_space<hbm>>, %arg3: memref<4x2048xi32, #tpu.memory_space<hbm>>, %arg4: memref<8192x2048xf32, #tpu.memory_space<hbm>>, %arg5: memref<256xi32, #tpu.memory_space<vmem>>, %arg6: memref<16x2048xf32, #tpu.memory_space<vmem>>, %arg7: memref<16x2048xf32, #tpu.memory_space<vmem>>, %arg8: memref<16x2048xf32, #tpu.memory_space<vmem>>, %arg9: memref<!tpu.dma_semaphore, #tpu.memory_space<semaphore_mem>>, %arg10: memref<!tpu.dma_semaphore, #tpu.memory_space<semaphore_mem>>, %arg11: memref<!tpu.dma_semaphore, #tpu.memory_space<semaphore_mem>>, %arg12: memref<!tpu.dma_semaphore, #tpu.memory_space<semaphore_mem>>, %arg13: memref<!tpu.dma_semaphore, #tpu.memory_space<semaphore_mem>>, %arg14: memref<!tpu.dma_semaphore, #tpu.memory_space<semaphore_mem>>) attributes {dimension_semantics = [#tpu.dimension_semantics<core_parallel>, #tpu.dimension_semantics<subcore_parallel>], iteration_bounds = array<i64: 2, 16>, scalar_prefetch = 0 : i64, scratch_operands = 10 : i64, tpu.core_type = #tpu.core_type<sc_vector_subcore>, window_params = [{transform_indices = #map}, {transform_indices = #map}, {transform_indices = #map}]} {
    %mul3A = arith.constant 2 : i32
    %mul3A_0 = arith.muli %arg1, %mul3A : i32
    %add3A = arith.addi %mul3A_0, %arg0 : i32
    %mul3A_1 = arith.constant 256 : i32
    %mul3A_2 = arith.muli %add3A, %mul3A_1 : i32
    %jit3A = arith.constant 8 : i32
    %div3A = arith.divsi %add3A, %jit3A : i32
    %sign3A = arith.constant 0 : i32
    %sign3A_3 = arith.cmpi sgt, %add3A, %sign3A : i32
    %sign3A_4 = arith.extui %sign3A_3 : i1 to i32
    %sign3A_5 = arith.constant 0 : i32
    %sign3A_6 = arith.cmpi slt, %add3A, %sign3A_5 : i32
    %sign3A_7 = arith.extui %sign3A_6 : i1 to i32
    %sign3A_8 = arith.subi %sign3A_4, %sign3A_7 : i32
    %sign3A_9 = arith.constant 0 : i32
    %sign3A_10 = arith.cmpi sgt, %jit3A, %sign3A_9 : i32
    %sign3A_11 = arith.extui %sign3A_10 : i1 to i32
    %sign3A_12 = arith.constant 0 : i32
    %sign3A_13 = arith.cmpi slt, %jit3A, %sign3A_12 : i32
    %sign3A_14 = arith.extui %sign3A_13 : i1 to i32
    %sign3A_15 = arith.subi %sign3A_11, %sign3A_14 : i32
    %ne3A = arith.cmpi ne, %sign3A_8, %sign3A_15 : i32
    %rem3A = arith.remsi %add3A, %jit3A : i32
    %ne3A_16 = arith.constant 0 : i32
    %ne3A_17 = arith.cmpi ne, %rem3A, %ne3A_16 : i32
    %and3A = arith.andi %ne3A, %ne3A_17 : i1
    %sub3A = arith.constant 1 : i32
    %sub3A_18 = arith.subi %div3A, %sub3A : i32
    %select_n3A = arith.select %and3A, %sub3A_18, %div3A : i32
    %jit3A_19 = arith.constant 8 : i32
    %eq3A = arith.constant 0 : i32
    %eq3A_20 = arith.cmpi eq, %jit3A_19, %eq3A : i32
    %jit3A_21 = arith.constant 1 : i32
    %select_n3A_22 = arith.select %eq3A_20, %jit3A_21, %jit3A_19 : i32
    %rem3A_23 = arith.remsi %add3A, %select_n3A_22 : i32
    %ne3A_24 = arith.constant 0 : i32
    %ne3A_25 = arith.cmpi ne, %rem3A_23, %ne3A_24 : i32
    %lt3A = arith.constant 0 : i32
    %lt3A_26 = arith.cmpi slt, %rem3A_23, %lt3A : i32
    %lt3A_27 = arith.constant 0 : i32
    %lt3A_28 = arith.cmpi slt, %select_n3A_22, %lt3A_27 : i32
    %ne3A_29 = arith.xori %lt3A_26, %lt3A_28 : i1
    %and3A_30 = arith.andi %ne3A_29, %ne3A_25 : i1
    %add3A_31 = arith.addi %rem3A_23, %select_n3A_22 : i32
    %select_n3A_32 = arith.select %and3A_30, %add3A_31, %rem3A_23 : i32
    %mul3A_33 = arith.constant 256 : i32
    %mul3A_34 = arith.muli %select_n3A_32, %mul3A_33 : i32
    "tpu.region"() ({
      %run_scoped3A = tpu.sem_alloc : memref<!tpu.dma_semaphore, #tpu.memory_space<semaphore_mem>>
      %dma_start3A_385 = tpu.memref_slice %arg3[%select_n3A, %mul3A_34] : memref<4x2048xi32, #tpu.memory_space<hbm>> -> memref<1x256xi32, #tpu.memory_space<hbm>>
      %dma_start3A_386 = tpu.memref_squeeze %dma_start3A_385 : memref<1x256xi32, #tpu.memory_space<hbm>> -> memref<256xi32, #tpu.memory_space<hbm>>
      %dma_start3A_387 = tpu.memref_slice %arg3[%select_n3A, %mul3A_34] : memref<4x2048xi32, #tpu.memory_space<hbm>> -> memref<1x256xi32, #tpu.memory_space<hbm>>
      %dma_start3A_388 = tpu.memref_squeeze %dma_start3A_387 : memref<1x256xi32, #tpu.memory_space<hbm>> -> memref<256xi32, #tpu.memory_space<hbm>>
      tpu.enqueue_dma source(%dma_start3A_388 : memref<256xi32, #tpu.memory_space<hbm>>) target(%arg5 : memref<256xi32, #tpu.memory_space<vmem>>) target_semaphore(%run_scoped3A : memref<!tpu.dma_semaphore, #tpu.memory_space<semaphore_mem>>)
      %dma_wait3A_389 = tpu.memref_slice %arg3[%select_n3A, %mul3A_34] : memref<4x2048xi32, #tpu.memory_space<hbm>> -> memref<1x256xi32, #tpu.memory_space<hbm>>
      %dma_wait3A_390 = tpu.memref_squeeze %dma_wait3A_389 : memref<1x256xi32, #tpu.memory_space<hbm>> -> memref<256xi32, #tpu.memory_space<hbm>>
      %dma_wait3A_391 = tpu.memref_slice %arg3[%select_n3A, %mul3A_34] : memref<4x2048xi32, #tpu.memory_space<hbm>> -> memref<1x256xi32, #tpu.memory_space<hbm>>
      %dma_wait3A_392 = tpu.memref_squeeze %dma_wait3A_391 : memref<1x256xi32, #tpu.memory_space<hbm>> -> memref<256xi32, #tpu.memory_space<hbm>>
      tpu.wait_dma2 semaphore(%run_scoped3A : memref<!tpu.dma_semaphore, #tpu.memory_space<semaphore_mem>>) src(%dma_wait3A_392 : memref<256xi32, #tpu.memory_space<hbm>>) dst(%arg5 : memref<256xi32, #tpu.memory_space<vmem>>)
      tpu.yield
    }) : () -> ()
    %dma_start3A = arith.constant 0 : i32
    %dma_start3A_35 = tpu.memref_slice %arg5[%dma_start3A] : memref<256xi32, #tpu.memory_space<vmem>> -> memref<16xi32, #tpu.memory_space<vmem>>
    %dma_start3A_36 = arith.constant 0 : i32
    %dma_start3A_37 = arith.constant 0 : i32
    %dma_start3A_38 = tpu.memref_slice %arg2[%dma_start3A_36, %dma_start3A_37] : memref<100000x2048xf32, #tpu.memory_space<hbm>> -> memref<100000x2048xf32, #tpu.memory_space<hbm>>
    tpu.enqueue_indirect_dma source(%dma_start3A_38 : memref<100000x2048xf32, #tpu.memory_space<hbm>>) target(%arg6 : memref<16x2048xf32, #tpu.memory_space<vmem>>) offsets(%dma_start3A_35 : memref<16xi32, #tpu.memory_space<vmem>>) semaphore(%arg9 : memref<!tpu.dma_semaphore, #tpu.memory_space<semaphore_mem>>)
    %dma_start3A_39 = arith.constant 16 : i32
    %dma_start3A_40 = tpu.memref_slice %arg5[%dma_start3A_39] : memref<256xi32, #tpu.memory_space<vmem>> -> memref<16xi32, #tpu.memory_space<vmem>>
    %dma_start3A_41 = arith.constant 0 : i32
    %dma_start3A_42 = arith.constant 0 : i32
    %dma_start3A_43 = tpu.memref_slice %arg2[%dma_start3A_41, %dma_start3A_42] : memref<100000x2048xf32, #tpu.memory_space<hbm>> -> memref<100000x2048xf32, #tpu.memory_space<hbm>>
    tpu.enqueue_indirect_dma source(%dma_start3A_43 : memref<100000x2048xf32, #tpu.memory_space<hbm>>) target(%arg7 : memref<16x2048xf32, #tpu.memory_space<vmem>>) offsets(%dma_start3A_40 : memref<16xi32, #tpu.memory_space<vmem>>) semaphore(%arg10 : memref<!tpu.dma_semaphore, #tpu.memory_space<semaphore_mem>>)
    %dma_start3A_44 = arith.constant 32 : i32
    %dma_start3A_45 = tpu.memref_slice %arg5[%dma_start3A_44] : memref<256xi32, #tpu.memory_space<vmem>> -> memref<16xi32, #tpu.memory_space<vmem>>
    %dma_start3A_46 = arith.constant 0 : i32
    %dma_start3A_47 = arith.constant 0 : i32
    %dma_start3A_48 = tpu.memref_slice %arg2[%dma_start3A_46, %dma_start3A_47] : memref<100000x2048xf32, #tpu.memory_space<hbm>> -> memref<100000x2048xf32, #tpu.memory_space<hbm>>
    tpu.enqueue_indirect_dma source(%dma_start3A_48 : memref<100000x2048xf32, #tpu.memory_space<hbm>>) target(%arg8 : memref<16x2048xf32, #tpu.memory_space<vmem>>) offsets(%dma_start3A_45 : memref<16xi32, #tpu.memory_space<vmem>>) semaphore(%arg11 : memref<!tpu.dma_semaphore, #tpu.memory_space<semaphore_mem>>)
    %dma_wait3A = arith.constant 0 : i32
    %dma_wait3A_49 = tpu.memref_slice %arg5[%dma_wait3A] : memref<256xi32, #tpu.memory_space<vmem>> -> memref<16xi32, #tpu.memory_space<vmem>>
    %dma_wait3A_50 = arith.constant 0 : i32
    %dma_wait3A_51 = arith.constant 0 : i32
    %dma_wait3A_52 = tpu.memref_slice %arg2[%dma_wait3A_50, %dma_wait3A_51] : memref<100000x2048xf32, #tpu.memory_space<hbm>> -> memref<100000x2048xf32, #tpu.memory_space<hbm>>
    tpu.wait_indirect_dma semaphore(%arg9 : memref<!tpu.dma_semaphore, #tpu.memory_space<semaphore_mem>>) src(%dma_wait3A_52 : memref<100000x2048xf32, #tpu.memory_space<hbm>>) dst(%arg6 : memref<16x2048xf32, #tpu.memory_space<vmem>>)
    %add3A_53 = arith.constant 0 : i32
    %add3A_54 = arith.addi %mul3A_2, %add3A_53 : i32
    %dma_start3A_55 = arith.constant 0 : i32
    %dma_start3A_56 = tpu.memref_slice %arg4[%add3A_54, %dma_start3A_55] : memref<8192x2048xf32, #tpu.memory_space<hbm>> -> memref<16x2048xf32, #tpu.memory_space<hbm>>
    %dma_start3A_57 = arith.constant 0 : i32
    %dma_start3A_58 = tpu.memref_slice %arg4[%add3A_54, %dma_start3A_57] : memref<8192x2048xf32, #tpu.memory_space<hbm>> -> memref<16x2048xf32, #tpu.memory_space<hbm>>
    tpu.enqueue_dma source(%arg6 : memref<16x2048xf32, #tpu.memory_space<vmem>>) target(%dma_start3A_58 : memref<16x2048xf32, #tpu.memory_space<hbm>>) target_semaphore(%arg12 : memref<!tpu.dma_semaphore, #tpu.memory_space<semaphore_mem>>)
    %dma_wait3A_59 = arith.constant 16 : i32
    %dma_wait3A_60 = tpu.memref_slice %arg5[%dma_wait3A_59] : memref<256xi32, #tpu.memory_space<vmem>> -> memref<16xi32, #tpu.memory_space<vmem>>
    %dma_wait3A_61 = arith.constant 0 : i32
    %dma_wait3A_62 = arith.constant 0 : i32
    %dma_wait3A_63 = tpu.memref_slice %arg2[%dma_wait3A_61, %dma_wait3A_62] : memref<100000x2048xf32, #tpu.memory_space<hbm>> -> memref<100000x2048xf32, #tpu.memory_space<hbm>>
    tpu.wait_indirect_dma semaphore(%arg10 : memref<!tpu.dma_semaphore, #tpu.memory_space<semaphore_mem>>) src(%dma_wait3A_63 : memref<100000x2048xf32, #tpu.memory_space<hbm>>) dst(%arg7 : memref<16x2048xf32, #tpu.memory_space<vmem>>)
    %add3A_64 = arith.constant 16 : i32
    %add3A_65 = arith.addi %mul3A_2, %add3A_64 : i32
    %dma_start3A_66 = arith.constant 0 : i32
    %dma_start3A_67 = tpu.memref_slice %arg4[%add3A_65, %dma_start3A_66] : memref<8192x2048xf32, #tpu.memory_space<hbm>> -> memref<16x2048xf32, #tpu.memory_space<hbm>>
    %dma_start3A_68 = arith.constant 0 : i32
    %dma_start3A_69 = tpu.memref_slice %arg4[%add3A_65, %dma_start3A_68] : memref<8192x2048xf32, #tpu.memory_space<hbm>> -> memref<16x2048xf32, #tpu.memory_space<hbm>>
    tpu.enqueue_dma source(%arg7 : memref<16x2048xf32, #tpu.memory_space<vmem>>) target(%dma_start3A_69 : memref<16x2048xf32, #tpu.memory_space<hbm>>) target_semaphore(%arg13 : memref<!tpu.dma_semaphore, #tpu.memory_space<semaphore_mem>>)
    %add3A_70 = arith.constant 0 : i32
    %add3A_71 = arith.addi %mul3A_2, %add3A_70 : i32
    %dma_wait3A_72 = arith.constant 0 : i32
    %dma_wait3A_73 = tpu.memref_slice %arg4[%add3A_71, %dma_wait3A_72] : memref<8192x2048xf32, #tpu.memory_space<hbm>> -> memref<16x2048xf32, #tpu.memory_space<hbm>>
    %dma_wait3A_74 = arith.constant 0 : i32
    %dma_wait3A_75 = tpu.memref_slice %arg4[%add3A_71, %dma_wait3A_74] : memref<8192x2048xf32, #tpu.memory_space<hbm>> -> memref<16x2048xf32, #tpu.memory_space<hbm>>
    tpu.wait_dma2 semaphore(%arg12 : memref<!tpu.dma_semaphore, #tpu.memory_space<semaphore_mem>>) src(%arg6 : memref<16x2048xf32, #tpu.memory_space<vmem>>) dst(%dma_wait3A_75 : memref<16x2048xf32, #tpu.memory_space<hbm>>)
    %dma_start3A_76 = arith.constant 48 : i32
    %dma_start3A_77 = tpu.memref_slice %arg5[%dma_start3A_76] : memref<256xi32, #tpu.memory_space<vmem>> -> memref<16xi32, #tpu.memory_space<vmem>>
    %dma_start3A_78 = arith.constant 0 : i32
    %dma_start3A_79 = arith.constant 0 : i32
    %dma_start3A_80 = tpu.memref_slice %arg2[%dma_start3A_78, %dma_start3A_79] : memref<100000x2048xf32, #tpu.memory_space<hbm>> -> memref<100000x2048xf32, #tpu.memory_space<hbm>>
    tpu.enqueue_indirect_dma source(%dma_start3A_80 : memref<100000x2048xf32, #tpu.memory_space<hbm>>) target(%arg6 : memref<16x2048xf32, #tpu.memory_space<vmem>>) offsets(%dma_start3A_77 : memref<16xi32, #tpu.memory_space<vmem>>) semaphore(%arg9 : memref<!tpu.dma_semaphore, #tpu.memory_space<semaphore_mem>>)
    %dma_wait3A_81 = arith.constant 32 : i32
    %dma_wait3A_82 = tpu.memref_slice %arg5[%dma_wait3A_81] : memref<256xi32, #tpu.memory_space<vmem>> -> memref<16xi32, #tpu.memory_space<vmem>>
    %dma_wait3A_83 = arith.constant 0 : i32
    %dma_wait3A_84 = arith.constant 0 : i32
    %dma_wait3A_85 = tpu.memref_slice %arg2[%dma_wait3A_83, %dma_wait3A_84] : memref<100000x2048xf32, #tpu.memory_space<hbm>> -> memref<100000x2048xf32, #tpu.memory_space<hbm>>
    tpu.wait_indirect_dma semaphore(%arg11 : memref<!tpu.dma_semaphore, #tpu.memory_space<semaphore_mem>>) src(%dma_wait3A_85 : memref<100000x2048xf32, #tpu.memory_space<hbm>>) dst(%arg8 : memref<16x2048xf32, #tpu.memory_space<vmem>>)
    %add3A_86 = arith.constant 32 : i32
    %add3A_87 = arith.addi %mul3A_2, %add3A_86 : i32
    %dma_start3A_88 = arith.constant 0 : i32
    %dma_start3A_89 = tpu.memref_slice %arg4[%add3A_87, %dma_start3A_88] : memref<8192x2048xf32, #tpu.memory_space<hbm>> -> memref<16x2048xf32, #tpu.memory_space<hbm>>
    %dma_start3A_90 = arith.constant 0 : i32
    %dma_start3A_91 = tpu.memref_slice %arg4[%add3A_87, %dma_start3A_90] : memref<8192x2048xf32, #tpu.memory_space<hbm>> -> memref<16x2048xf32, #tpu.memory_space<hbm>>
    tpu.enqueue_dma source(%arg8 : memref<16x2048xf32, #tpu.memory_space<vmem>>) target(%dma_start3A_91 : memref<16x2048xf32, #tpu.memory_space<hbm>>) target_semaphore(%arg14 : memref<!tpu.dma_semaphore, #tpu.memory_space<semaphore_mem>>)
    %add3A_92 = arith.constant 16 : i32
    %add3A_93 = arith.addi %mul3A_2, %add3A_92 : i32
    %dma_wait3A_94 = arith.constant 0 : i32
    %dma_wait3A_95 = tpu.memref_slice %arg4[%add3A_93, %dma_wait3A_94] : memref<8192x2048xf32, #tpu.memory_space<hbm>> -> memref<16x2048xf32, #tpu.memory_space<hbm>>
    %dma_wait3A_96 = arith.constant 0 : i32
    %dma_wait3A_97 = tpu.memref_slice %arg4[%add3A_93, %dma_wait3A_96] : memref<8192x2048xf32, #tpu.memory_space<hbm>> -> memref<16x2048xf32, #tpu.memory_space<hbm>>
    tpu.wait_dma2 semaphore(%arg13 : memref<!tpu.dma_semaphore, #tpu.memory_space<semaphore_mem>>) src(%arg7 : memref<16x2048xf32, #tpu.memory_space<vmem>>) dst(%dma_wait3A_97 : memref<16x2048xf32, #tpu.memory_space<hbm>>)
    %dma_start3A_98 = arith.constant 64 : i32
    %dma_start3A_99 = tpu.memref_slice %arg5[%dma_start3A_98] : memref<256xi32, #tpu.memory_space<vmem>> -> memref<16xi32, #tpu.memory_space<vmem>>
    %dma_start3A_100 = arith.constant 0 : i32
    %dma_start3A_101 = arith.constant 0 : i32
    %dma_start3A_102 = tpu.memref_slice %arg2[%dma_start3A_100, %dma_start3A_101] : memref<100000x2048xf32, #tpu.memory_space<hbm>> -> memref<100000x2048xf32, #tpu.memory_space<hbm>>
    tpu.enqueue_indirect_dma source(%dma_start3A_102 : memref<100000x2048xf32, #tpu.memory_space<hbm>>) target(%arg7 : memref<16x2048xf32, #tpu.memory_space<vmem>>) offsets(%dma_start3A_99 : memref<16xi32, #tpu.memory_space<vmem>>) semaphore(%arg10 : memref<!tpu.dma_semaphore, #tpu.memory_space<semaphore_mem>>)
    %dma_wait3A_103 = arith.constant 48 : i32
    %dma_wait3A_104 = tpu.memref_slice %arg5[%dma_wait3A_103] : memref<256xi32, #tpu.memory_space<vmem>> -> memref<16xi32, #tpu.memory_space<vmem>>
    %dma_wait3A_105 = arith.constant 0 : i32
    %dma_wait3A_106 = arith.constant 0 : i32
    %dma_wait3A_107 = tpu.memref_slice %arg2[%dma_wait3A_105, %dma_wait3A_106] : memref<100000x2048xf32, #tpu.memory_space<hbm>> -> memref<100000x2048xf32, #tpu.memory_space<hbm>>
    tpu.wait_indirect_dma semaphore(%arg9 : memref<!tpu.dma_semaphore, #tpu.memory_space<semaphore_mem>>) src(%dma_wait3A_107 : memref<100000x2048xf32, #tpu.memory_space<hbm>>) dst(%arg6 : memref<16x2048xf32, #tpu.memory_space<vmem>>)
    %add3A_108 = arith.constant 48 : i32
    %add3A_109 = arith.addi %mul3A_2, %add3A_108 : i32
    %dma_start3A_110 = arith.constant 0 : i32
    %dma_start3A_111 = tpu.memref_slice %arg4[%add3A_109, %dma_start3A_110] : memref<8192x2048xf32, #tpu.memory_space<hbm>> -> memref<16x2048xf32, #tpu.memory_space<hbm>>
    %dma_start3A_112 = arith.constant 0 : i32
    %dma_start3A_113 = tpu.memref_slice %arg4[%add3A_109, %dma_start3A_112] : memref<8192x2048xf32, #tpu.memory_space<hbm>> -> memref<16x2048xf32, #tpu.memory_space<hbm>>
    tpu.enqueue_dma source(%arg6 : memref<16x2048xf32, #tpu.memory_space<vmem>>) target(%dma_start3A_113 : memref<16x2048xf32, #tpu.memory_space<hbm>>) target_semaphore(%arg12 : memref<!tpu.dma_semaphore, #tpu.memory_space<semaphore_mem>>)
    %add3A_114 = arith.constant 32 : i32
    %add3A_115 = arith.addi %mul3A_2, %add3A_114 : i32
    %dma_wait3A_116 = arith.constant 0 : i32
    %dma_wait3A_117 = tpu.memref_slice %arg4[%add3A_115, %dma_wait3A_116] : memref<8192x2048xf32, #tpu.memory_space<hbm>> -> memref<16x2048xf32, #tpu.memory_space<hbm>>
    %dma_wait3A_118 = arith.constant 0 : i32
    %dma_wait3A_119 = tpu.memref_slice %arg4[%add3A_115, %dma_wait3A_118] : memref<8192x2048xf32, #tpu.memory_space<hbm>> -> memref<16x2048xf32, #tpu.memory_space<hbm>>
    tpu.wait_dma2 semaphore(%arg14 : memref<!tpu.dma_semaphore, #tpu.memory_space<semaphore_mem>>) src(%arg8 : memref<16x2048xf32, #tpu.memory_space<vmem>>) dst(%dma_wait3A_119 : memref<16x2048xf32, #tpu.memory_space<hbm>>)
    %dma_start3A_120 = arith.constant 80 : i32
    %dma_start3A_121 = tpu.memref_slice %arg5[%dma_start3A_120] : memref<256xi32, #tpu.memory_space<vmem>> -> memref<16xi32, #tpu.memory_space<vmem>>
    %dma_start3A_122 = arith.constant 0 : i32
    %dma_start3A_123 = arith.constant 0 : i32
    %dma_start3A_124 = tpu.memref_slice %arg2[%dma_start3A_122, %dma_start3A_123] : memref<100000x2048xf32, #tpu.memory_space<hbm>> -> memref<100000x2048xf32, #tpu.memory_space<hbm>>
    tpu.enqueue_indirect_dma source(%dma_start3A_124 : memref<100000x2048xf32, #tpu.memory_space<hbm>>) target(%arg8 : memref<16x2048xf32, #tpu.memory_space<vmem>>) offsets(%dma_start3A_121 : memref<16xi32, #tpu.memory_space<vmem>>) semaphore(%arg11 : memref<!tpu.dma_semaphore, #tpu.memory_space<semaphore_mem>>)
    %dma_wait3A_125 = arith.constant 64 : i32
    %dma_wait3A_126 = tpu.memref_slice %arg5[%dma_wait3A_125] : memref<256xi32, #tpu.memory_space<vmem>> -> memref<16xi32, #tpu.memory_space<vmem>>
    %dma_wait3A_127 = arith.constant 0 : i32
    %dma_wait3A_128 = arith.constant 0 : i32
    %dma_wait3A_129 = tpu.memref_slice %arg2[%dma_wait3A_127, %dma_wait3A_128] : memref<100000x2048xf32, #tpu.memory_space<hbm>> -> memref<100000x2048xf32, #tpu.memory_space<hbm>>
    tpu.wait_indirect_dma semaphore(%arg10 : memref<!tpu.dma_semaphore, #tpu.memory_space<semaphore_mem>>) src(%dma_wait3A_129 : memref<100000x2048xf32, #tpu.memory_space<hbm>>) dst(%arg7 : memref<16x2048xf32, #tpu.memory_space<vmem>>)
    %add3A_130 = arith.constant 64 : i32
    %add3A_131 = arith.addi %mul3A_2, %add3A_130 : i32
    %dma_start3A_132 = arith.constant 0 : i32
    %dma_start3A_133 = tpu.memref_slice %arg4[%add3A_131, %dma_start3A_132] : memref<8192x2048xf32, #tpu.memory_space<hbm>> -> memref<16x2048xf32, #tpu.memory_space<hbm>>
    %dma_start3A_134 = arith.constant 0 : i32
    %dma_start3A_135 = tpu.memref_slice %arg4[%add3A_131, %dma_start3A_134] : memref<8192x2048xf32, #tpu.memory_space<hbm>> -> memref<16x2048xf32, #tpu.memory_space<hbm>>
    tpu.enqueue_dma source(%arg7 : memref<16x2048xf32, #tpu.memory_space<vmem>>) target(%dma_start3A_135 : memref<16x2048xf32, #tpu.memory_space<hbm>>) target_semaphore(%arg13 : memref<!tpu.dma_semaphore, #tpu.memory_space<semaphore_mem>>)
    %add3A_136 = arith.constant 48 : i32
    %add3A_137 = arith.addi %mul3A_2, %add3A_136 : i32
    %dma_wait3A_138 = arith.constant 0 : i32
    %dma_wait3A_139 = tpu.memref_slice %arg4[%add3A_137, %dma_wait3A_138] : memref<8192x2048xf32, #tpu.memory_space<hbm>> -> memref<16x2048xf32, #tpu.memory_space<hbm>>
    %dma_wait3A_140 = arith.constant 0 : i32
    %dma_wait3A_141 = tpu.memref_slice %arg4[%add3A_137, %dma_wait3A_140] : memref<8192x2048xf32, #tpu.memory_space<hbm>> -> memref<16x2048xf32, #tpu.memory_space<hbm>>
    tpu.wait_dma2 semaphore(%arg12 : memref<!tpu.dma_semaphore, #tpu.memory_space<semaphore_mem>>) src(%arg6 : memref<16x2048xf32, #tpu.memory_space<vmem>>) dst(%dma_wait3A_141 : memref<16x2048xf32, #tpu.memory_space<hbm>>)
    %dma_start3A_142 = arith.constant 96 : i32
    %dma_start3A_143 = tpu.memref_slice %arg5[%dma_start3A_142] : memref<256xi32, #tpu.memory_space<vmem>> -> memref<16xi32, #tpu.memory_space<vmem>>
    %dma_start3A_144 = arith.constant 0 : i32
    %dma_start3A_145 = arith.constant 0 : i32
    %dma_start3A_146 = tpu.memref_slice %arg2[%dma_start3A_144, %dma_start3A_145] : memref<100000x2048xf32, #tpu.memory_space<hbm>> -> memref<100000x2048xf32, #tpu.memory_space<hbm>>
    tpu.enqueue_indirect_dma source(%dma_start3A_146 : memref<100000x2048xf32, #tpu.memory_space<hbm>>) target(%arg6 : memref<16x2048xf32, #tpu.memory_space<vmem>>) offsets(%dma_start3A_143 : memref<16xi32, #tpu.memory_space<vmem>>) semaphore(%arg9 : memref<!tpu.dma_semaphore, #tpu.memory_space<semaphore_mem>>)
    %dma_wait3A_147 = arith.constant 80 : i32
    %dma_wait3A_148 = tpu.memref_slice %arg5[%dma_wait3A_147] : memref<256xi32, #tpu.memory_space<vmem>> -> memref<16xi32, #tpu.memory_space<vmem>>
    %dma_wait3A_149 = arith.constant 0 : i32
    %dma_wait3A_150 = arith.constant 0 : i32
    %dma_wait3A_151 = tpu.memref_slice %arg2[%dma_wait3A_149, %dma_wait3A_150] : memref<100000x2048xf32, #tpu.memory_space<hbm>> -> memref<100000x2048xf32, #tpu.memory_space<hbm>>
    tpu.wait_indirect_dma semaphore(%arg11 : memref<!tpu.dma_semaphore, #tpu.memory_space<semaphore_mem>>) src(%dma_wait3A_151 : memref<100000x2048xf32, #tpu.memory_space<hbm>>) dst(%arg8 : memref<16x2048xf32, #tpu.memory_space<vmem>>)
    %add3A_152 = arith.constant 80 : i32
    %add3A_153 = arith.addi %mul3A_2, %add3A_152 : i32
    %dma_start3A_154 = arith.constant 0 : i32
    %dma_start3A_155 = tpu.memref_slice %arg4[%add3A_153, %dma_start3A_154] : memref<8192x2048xf32, #tpu.memory_space<hbm>> -> memref<16x2048xf32, #tpu.memory_space<hbm>>
    %dma_start3A_156 = arith.constant 0 : i32
    %dma_start3A_157 = tpu.memref_slice %arg4[%add3A_153, %dma_start3A_156] : memref<8192x2048xf32, #tpu.memory_space<hbm>> -> memref<16x2048xf32, #tpu.memory_space<hbm>>
    tpu.enqueue_dma source(%arg8 : memref<16x2048xf32, #tpu.memory_space<vmem>>) target(%dma_start3A_157 : memref<16x2048xf32, #tpu.memory_space<hbm>>) target_semaphore(%arg14 : memref<!tpu.dma_semaphore, #tpu.memory_space<semaphore_mem>>)
    %add3A_158 = arith.constant 64 : i32
    %add3A_159 = arith.addi %mul3A_2, %add3A_158 : i32
    %dma_wait3A_160 = arith.constant 0 : i32
    %dma_wait3A_161 = tpu.memref_slice %arg4[%add3A_159, %dma_wait3A_160] : memref<8192x2048xf32, #tpu.memory_space<hbm>> -> memref<16x2048xf32, #tpu.memory_space<hbm>>
    %dma_wait3A_162 = arith.constant 0 : i32
    %dma_wait3A_163 = tpu.memref_slice %arg4[%add3A_159, %dma_wait3A_162] : memref<8192x2048xf32, #tpu.memory_space<hbm>> -> memref<16x2048xf32, #tpu.memory_space<hbm>>
    tpu.wait_dma2 semaphore(%arg13 : memref<!tpu.dma_semaphore, #tpu.memory_space<semaphore_mem>>) src(%arg7 : memref<16x2048xf32, #tpu.memory_space<vmem>>) dst(%dma_wait3A_163 : memref<16x2048xf32, #tpu.memory_space<hbm>>)
    %dma_start3A_164 = arith.constant 112 : i32
    %dma_start3A_165 = tpu.memref_slice %arg5[%dma_start3A_164] : memref<256xi32, #tpu.memory_space<vmem>> -> memref<16xi32, #tpu.memory_space<vmem>>
    %dma_start3A_166 = arith.constant 0 : i32
    %dma_start3A_167 = arith.constant 0 : i32
    %dma_start3A_168 = tpu.memref_slice %arg2[%dma_start3A_166, %dma_start3A_167] : memref<100000x2048xf32, #tpu.memory_space<hbm>> -> memref<100000x2048xf32, #tpu.memory_space<hbm>>
    tpu.enqueue_indirect_dma source(%dma_start3A_168 : memref<100000x2048xf32, #tpu.memory_space<hbm>>) target(%arg7 : memref<16x2048xf32, #tpu.memory_space<vmem>>) offsets(%dma_start3A_165 : memref<16xi32, #tpu.memory_space<vmem>>) semaphore(%arg10 : memref<!tpu.dma_semaphore, #tpu.memory_space<semaphore_mem>>)
    %dma_wait3A_169 = arith.constant 96 : i32
    %dma_wait3A_170 = tpu.memref_slice %arg5[%dma_wait3A_169] : memref<256xi32, #tpu.memory_space<vmem>> -> memref<16xi32, #tpu.memory_space<vmem>>
    %dma_wait3A_171 = arith.constant 0 : i32
    %dma_wait3A_172 = arith.constant 0 : i32
    %dma_wait3A_173 = tpu.memref_slice %arg2[%dma_wait3A_171, %dma_wait3A_172] : memref<100000x2048xf32, #tpu.memory_space<hbm>> -> memref<100000x2048xf32, #tpu.memory_space<hbm>>
    tpu.wait_indirect_dma semaphore(%arg9 : memref<!tpu.dma_semaphore, #tpu.memory_space<semaphore_mem>>) src(%dma_wait3A_173 : memref<100000x2048xf32, #tpu.memory_space<hbm>>) dst(%arg6 : memref<16x2048xf32, #tpu.memory_space<vmem>>)
    %add3A_174 = arith.constant 96 : i32
    %add3A_175 = arith.addi %mul3A_2, %add3A_174 : i32
    %dma_start3A_176 = arith.constant 0 : i32
    %dma_start3A_177 = tpu.memref_slice %arg4[%add3A_175, %dma_start3A_176] : memref<8192x2048xf32, #tpu.memory_space<hbm>> -> memref<16x2048xf32, #tpu.memory_space<hbm>>
    %dma_start3A_178 = arith.constant 0 : i32
    %dma_start3A_179 = tpu.memref_slice %arg4[%add3A_175, %dma_start3A_178] : memref<8192x2048xf32, #tpu.memory_space<hbm>> -> memref<16x2048xf32, #tpu.memory_space<hbm>>
    tpu.enqueue_dma source(%arg6 : memref<16x2048xf32, #tpu.memory_space<vmem>>) target(%dma_start3A_179 : memref<16x2048xf32, #tpu.memory_space<hbm>>) target_semaphore(%arg12 : memref<!tpu.dma_semaphore, #tpu.memory_space<semaphore_mem>>)
    %add3A_180 = arith.constant 80 : i32
    %add3A_181 = arith.addi %mul3A_2, %add3A_180 : i32
    %dma_wait3A_182 = arith.constant 0 : i32
    %dma_wait3A_183 = tpu.memref_slice %arg4[%add3A_181, %dma_wait3A_182] : memref<8192x2048xf32, #tpu.memory_space<hbm>> -> memref<16x2048xf32, #tpu.memory_space<hbm>>
    %dma_wait3A_184 = arith.constant 0 : i32
    %dma_wait3A_185 = tpu.memref_slice %arg4[%add3A_181, %dma_wait3A_184] : memref<8192x2048xf32, #tpu.memory_space<hbm>> -> memref<16x2048xf32, #tpu.memory_space<hbm>>
    tpu.wait_dma2 semaphore(%arg14 : memref<!tpu.dma_semaphore, #tpu.memory_space<semaphore_mem>>) src(%arg8 : memref<16x2048xf32, #tpu.memory_space<vmem>>) dst(%dma_wait3A_185 : memref<16x2048xf32, #tpu.memory_space<hbm>>)
    %dma_start3A_186 = arith.constant 128 : i32
    %dma_start3A_187 = tpu.memref_slice %arg5[%dma_start3A_186] : memref<256xi32, #tpu.memory_space<vmem>> -> memref<16xi32, #tpu.memory_space<vmem>>
    %dma_start3A_188 = arith.constant 0 : i32
    %dma_start3A_189 = arith.constant 0 : i32
    %dma_start3A_190 = tpu.memref_slice %arg2[%dma_start3A_188, %dma_start3A_189] : memref<100000x2048xf32, #tpu.memory_space<hbm>> -> memref<100000x2048xf32, #tpu.memory_space<hbm>>
    tpu.enqueue_indirect_dma source(%dma_start3A_190 : memref<100000x2048xf32, #tpu.memory_space<hbm>>) target(%arg8 : memref<16x2048xf32, #tpu.memory_space<vmem>>) offsets(%dma_start3A_187 : memref<16xi32, #tpu.memory_space<vmem>>) semaphore(%arg11 : memref<!tpu.dma_semaphore, #tpu.memory_space<semaphore_mem>>)
    %dma_wait3A_191 = arith.constant 112 : i32
    %dma_wait3A_192 = tpu.memref_slice %arg5[%dma_wait3A_191] : memref<256xi32, #tpu.memory_space<vmem>> -> memref<16xi32, #tpu.memory_space<vmem>>
    %dma_wait3A_193 = arith.constant 0 : i32
    %dma_wait3A_194 = arith.constant 0 : i32
    %dma_wait3A_195 = tpu.memref_slice %arg2[%dma_wait3A_193, %dma_wait3A_194] : memref<100000x2048xf32, #tpu.memory_space<hbm>> -> memref<100000x2048xf32, #tpu.memory_space<hbm>>
    tpu.wait_indirect_dma semaphore(%arg10 : memref<!tpu.dma_semaphore, #tpu.memory_space<semaphore_mem>>) src(%dma_wait3A_195 : memref<100000x2048xf32, #tpu.memory_space<hbm>>) dst(%arg7 : memref<16x2048xf32, #tpu.memory_space<vmem>>)
    %add3A_196 = arith.constant 112 : i32
    %add3A_197 = arith.addi %mul3A_2, %add3A_196 : i32
    %dma_start3A_198 = arith.constant 0 : i32
    %dma_start3A_199 = tpu.memref_slice %arg4[%add3A_197, %dma_start3A_198] : memref<8192x2048xf32, #tpu.memory_space<hbm>> -> memref<16x2048xf32, #tpu.memory_space<hbm>>
    %dma_start3A_200 = arith.constant 0 : i32
    %dma_start3A_201 = tpu.memref_slice %arg4[%add3A_197, %dma_start3A_200] : memref<8192x2048xf32, #tpu.memory_space<hbm>> -> memref<16x2048xf32, #tpu.memory_space<hbm>>
    tpu.enqueue_dma source(%arg7 : memref<16x2048xf32, #tpu.memory_space<vmem>>) target(%dma_start3A_201 : memref<16x2048xf32, #tpu.memory_space<hbm>>) target_semaphore(%arg13 : memref<!tpu.dma_semaphore, #tpu.memory_space<semaphore_mem>>)
    %add3A_202 = arith.constant 96 : i32
    %add3A_203 = arith.addi %mul3A_2, %add3A_202 : i32
    %dma_wait3A_204 = arith.constant 0 : i32
    %dma_wait3A_205 = tpu.memref_slice %arg4[%add3A_203, %dma_wait3A_204] : memref<8192x2048xf32, #tpu.memory_space<hbm>> -> memref<16x2048xf32, #tpu.memory_space<hbm>>
    %dma_wait3A_206 = arith.constant 0 : i32
    %dma_wait3A_207 = tpu.memref_slice %arg4[%add3A_203, %dma_wait3A_206] : memref<8192x2048xf32, #tpu.memory_space<hbm>> -> memref<16x2048xf32, #tpu.memory_space<hbm>>
    tpu.wait_dma2 semaphore(%arg12 : memref<!tpu.dma_semaphore, #tpu.memory_space<semaphore_mem>>) src(%arg6 : memref<16x2048xf32, #tpu.memory_space<vmem>>) dst(%dma_wait3A_207 : memref<16x2048xf32, #tpu.memory_space<hbm>>)
    %dma_start3A_208 = arith.constant 144 : i32
    %dma_start3A_209 = tpu.memref_slice %arg5[%dma_start3A_208] : memref<256xi32, #tpu.memory_space<vmem>> -> memref<16xi32, #tpu.memory_space<vmem>>
    %dma_start3A_210 = arith.constant 0 : i32
    %dma_start3A_211 = arith.constant 0 : i32
    %dma_start3A_212 = tpu.memref_slice %arg2[%dma_start3A_210, %dma_start3A_211] : memref<100000x2048xf32, #tpu.memory_space<hbm>> -> memref<100000x2048xf32, #tpu.memory_space<hbm>>
    tpu.enqueue_indirect_dma source(%dma_start3A_212 : memref<100000x2048xf32, #tpu.memory_space<hbm>>) target(%arg6 : memref<16x2048xf32, #tpu.memory_space<vmem>>) offsets(%dma_start3A_209 : memref<16xi32, #tpu.memory_space<vmem>>) semaphore(%arg9 : memref<!tpu.dma_semaphore, #tpu.memory_space<semaphore_mem>>)
    %dma_wait3A_213 = arith.constant 128 : i32
    %dma_wait3A_214 = tpu.memref_slice %arg5[%dma_wait3A_213] : memref<256xi32, #tpu.memory_space<vmem>> -> memref<16xi32, #tpu.memory_space<vmem>>
    %dma_wait3A_215 = arith.constant 0 : i32
    %dma_wait3A_216 = arith.constant 0 : i32
    %dma_wait3A_217 = tpu.memref_slice %arg2[%dma_wait3A_215, %dma_wait3A_216] : memref<100000x2048xf32, #tpu.memory_space<hbm>> -> memref<100000x2048xf32, #tpu.memory_space<hbm>>
    tpu.wait_indirect_dma semaphore(%arg11 : memref<!tpu.dma_semaphore, #tpu.memory_space<semaphore_mem>>) src(%dma_wait3A_217 : memref<100000x2048xf32, #tpu.memory_space<hbm>>) dst(%arg8 : memref<16x2048xf32, #tpu.memory_space<vmem>>)
    %add3A_218 = arith.constant 128 : i32
    %add3A_219 = arith.addi %mul3A_2, %add3A_218 : i32
    %dma_start3A_220 = arith.constant 0 : i32
    %dma_start3A_221 = tpu.memref_slice %arg4[%add3A_219, %dma_start3A_220] : memref<8192x2048xf32, #tpu.memory_space<hbm>> -> memref<16x2048xf32, #tpu.memory_space<hbm>>
    %dma_start3A_222 = arith.constant 0 : i32
    %dma_start3A_223 = tpu.memref_slice %arg4[%add3A_219, %dma_start3A_222] : memref<8192x2048xf32, #tpu.memory_space<hbm>> -> memref<16x2048xf32, #tpu.memory_space<hbm>>
    tpu.enqueue_dma source(%arg8 : memref<16x2048xf32, #tpu.memory_space<vmem>>) target(%dma_start3A_223 : memref<16x2048xf32, #tpu.memory_space<hbm>>) target_semaphore(%arg14 : memref<!tpu.dma_semaphore, #tpu.memory_space<semaphore_mem>>)
    %add3A_224 = arith.constant 112 : i32
    %add3A_225 = arith.addi %mul3A_2, %add3A_224 : i32
    %dma_wait3A_226 = arith.constant 0 : i32
    %dma_wait3A_227 = tpu.memref_slice %arg4[%add3A_225, %dma_wait3A_226] : memref<8192x2048xf32, #tpu.memory_space<hbm>> -> memref<16x2048xf32, #tpu.memory_space<hbm>>
    %dma_wait3A_228 = arith.constant 0 : i32
    %dma_wait3A_229 = tpu.memref_slice %arg4[%add3A_225, %dma_wait3A_228] : memref<8192x2048xf32, #tpu.memory_space<hbm>> -> memref<16x2048xf32, #tpu.memory_space<hbm>>
    tpu.wait_dma2 semaphore(%arg13 : memref<!tpu.dma_semaphore, #tpu.memory_space<semaphore_mem>>) src(%arg7 : memref<16x2048xf32, #tpu.memory_space<vmem>>) dst(%dma_wait3A_229 : memref<16x2048xf32, #tpu.memory_space<hbm>>)
    %dma_start3A_230 = arith.constant 160 : i32
    %dma_start3A_231 = tpu.memref_slice %arg5[%dma_start3A_230] : memref<256xi32, #tpu.memory_space<vmem>> -> memref<16xi32, #tpu.memory_space<vmem>>
    %dma_start3A_232 = arith.constant 0 : i32
    %dma_start3A_233 = arith.constant 0 : i32
    %dma_start3A_234 = tpu.memref_slice %arg2[%dma_start3A_232, %dma_start3A_233] : memref<100000x2048xf32, #tpu.memory_space<hbm>> -> memref<100000x2048xf32, #tpu.memory_space<hbm>>
    tpu.enqueue_indirect_dma source(%dma_start3A_234 : memref<100000x2048xf32, #tpu.memory_space<hbm>>) target(%arg7 : memref<16x2048xf32, #tpu.memory_space<vmem>>) offsets(%dma_start3A_231 : memref<16xi32, #tpu.memory_space<vmem>>) semaphore(%arg10 : memref<!tpu.dma_semaphore, #tpu.memory_space<semaphore_mem>>)
    %dma_wait3A_235 = arith.constant 144 : i32
    %dma_wait3A_236 = tpu.memref_slice %arg5[%dma_wait3A_235] : memref<256xi32, #tpu.memory_space<vmem>> -> memref<16xi32, #tpu.memory_space<vmem>>
    %dma_wait3A_237 = arith.constant 0 : i32
    %dma_wait3A_238 = arith.constant 0 : i32
    %dma_wait3A_239 = tpu.memref_slice %arg2[%dma_wait3A_237, %dma_wait3A_238] : memref<100000x2048xf32, #tpu.memory_space<hbm>> -> memref<100000x2048xf32, #tpu.memory_space<hbm>>
    tpu.wait_indirect_dma semaphore(%arg9 : memref<!tpu.dma_semaphore, #tpu.memory_space<semaphore_mem>>) src(%dma_wait3A_239 : memref<100000x2048xf32, #tpu.memory_space<hbm>>) dst(%arg6 : memref<16x2048xf32, #tpu.memory_space<vmem>>)
    %add3A_240 = arith.constant 144 : i32
    %add3A_241 = arith.addi %mul3A_2, %add3A_240 : i32
    %dma_start3A_242 = arith.constant 0 : i32
    %dma_start3A_243 = tpu.memref_slice %arg4[%add3A_241, %dma_start3A_242] : memref<8192x2048xf32, #tpu.memory_space<hbm>> -> memref<16x2048xf32, #tpu.memory_space<hbm>>
    %dma_start3A_244 = arith.constant 0 : i32
    %dma_start3A_245 = tpu.memref_slice %arg4[%add3A_241, %dma_start3A_244] : memref<8192x2048xf32, #tpu.memory_space<hbm>> -> memref<16x2048xf32, #tpu.memory_space<hbm>>
    tpu.enqueue_dma source(%arg6 : memref<16x2048xf32, #tpu.memory_space<vmem>>) target(%dma_start3A_245 : memref<16x2048xf32, #tpu.memory_space<hbm>>) target_semaphore(%arg12 : memref<!tpu.dma_semaphore, #tpu.memory_space<semaphore_mem>>)
    %add3A_246 = arith.constant 128 : i32
    %add3A_247 = arith.addi %mul3A_2, %add3A_246 : i32
    %dma_wait3A_248 = arith.constant 0 : i32
    %dma_wait3A_249 = tpu.memref_slice %arg4[%add3A_247, %dma_wait3A_248] : memref<8192x2048xf32, #tpu.memory_space<hbm>> -> memref<16x2048xf32, #tpu.memory_space<hbm>>
    %dma_wait3A_250 = arith.constant 0 : i32
    %dma_wait3A_251 = tpu.memref_slice %arg4[%add3A_247, %dma_wait3A_250] : memref<8192x2048xf32, #tpu.memory_space<hbm>> -> memref<16x2048xf32, #tpu.memory_space<hbm>>
    tpu.wait_dma2 semaphore(%arg14 : memref<!tpu.dma_semaphore, #tpu.memory_space<semaphore_mem>>) src(%arg8 : memref<16x2048xf32, #tpu.memory_space<vmem>>) dst(%dma_wait3A_251 : memref<16x2048xf32, #tpu.memory_space<hbm>>)
    %dma_start3A_252 = arith.constant 176 : i32
    %dma_start3A_253 = tpu.memref_slice %arg5[%dma_start3A_252] : memref<256xi32, #tpu.memory_space<vmem>> -> memref<16xi32, #tpu.memory_space<vmem>>
    %dma_start3A_254 = arith.constant 0 : i32
    %dma_start3A_255 = arith.constant 0 : i32
    %dma_start3A_256 = tpu.memref_slice %arg2[%dma_start3A_254, %dma_start3A_255] : memref<100000x2048xf32, #tpu.memory_space<hbm>> -> memref<100000x2048xf32, #tpu.memory_space<hbm>>
    tpu.enqueue_indirect_dma source(%dma_start3A_256 : memref<100000x2048xf32, #tpu.memory_space<hbm>>) target(%arg8 : memref<16x2048xf32, #tpu.memory_space<vmem>>) offsets(%dma_start3A_253 : memref<16xi32, #tpu.memory_space<vmem>>) semaphore(%arg11 : memref<!tpu.dma_semaphore, #tpu.memory_space<semaphore_mem>>)
    %dma_wait3A_257 = arith.constant 160 : i32
    %dma_wait3A_258 = tpu.memref_slice %arg5[%dma_wait3A_257] : memref<256xi32, #tpu.memory_space<vmem>> -> memref<16xi32, #tpu.memory_space<vmem>>
    %dma_wait3A_259 = arith.constant 0 : i32
    %dma_wait3A_260 = arith.constant 0 : i32
    %dma_wait3A_261 = tpu.memref_slice %arg2[%dma_wait3A_259, %dma_wait3A_260] : memref<100000x2048xf32, #tpu.memory_space<hbm>> -> memref<100000x2048xf32, #tpu.memory_space<hbm>>
    tpu.wait_indirect_dma semaphore(%arg10 : memref<!tpu.dma_semaphore, #tpu.memory_space<semaphore_mem>>) src(%dma_wait3A_261 : memref<100000x2048xf32, #tpu.memory_space<hbm>>) dst(%arg7 : memref<16x2048xf32, #tpu.memory_space<vmem>>)
    %add3A_262 = arith.constant 160 : i32
    %add3A_263 = arith.addi %mul3A_2, %add3A_262 : i32
    %dma_start3A_264 = arith.constant 0 : i32
    %dma_start3A_265 = tpu.memref_slice %arg4[%add3A_263, %dma_start3A_264] : memref<8192x2048xf32, #tpu.memory_space<hbm>> -> memref<16x2048xf32, #tpu.memory_space<hbm>>
    %dma_start3A_266 = arith.constant 0 : i32
    %dma_start3A_267 = tpu.memref_slice %arg4[%add3A_263, %dma_start3A_266] : memref<8192x2048xf32, #tpu.memory_space<hbm>> -> memref<16x2048xf32, #tpu.memory_space<hbm>>
    tpu.enqueue_dma source(%arg7 : memref<16x2048xf32, #tpu.memory_space<vmem>>) target(%dma_start3A_267 : memref<16x2048xf32, #tpu.memory_space<hbm>>) target_semaphore(%arg13 : memref<!tpu.dma_semaphore, #tpu.memory_space<semaphore_mem>>)
    %add3A_268 = arith.constant 144 : i32
    %add3A_269 = arith.addi %mul3A_2, %add3A_268 : i32
    %dma_wait3A_270 = arith.constant 0 : i32
    %dma_wait3A_271 = tpu.memref_slice %arg4[%add3A_269, %dma_wait3A_270] : memref<8192x2048xf32, #tpu.memory_space<hbm>> -> memref<16x2048xf32, #tpu.memory_space<hbm>>
    %dma_wait3A_272 = arith.constant 0 : i32
    %dma_wait3A_273 = tpu.memref_slice %arg4[%add3A_269, %dma_wait3A_272] : memref<8192x2048xf32, #tpu.memory_space<hbm>> -> memref<16x2048xf32, #tpu.memory_space<hbm>>
    tpu.wait_dma2 semaphore(%arg12 : memref<!tpu.dma_semaphore, #tpu.memory_space<semaphore_mem>>) src(%arg6 : memref<16x2048xf32, #tpu.memory_space<vmem>>) dst(%dma_wait3A_273 : memref<16x2048xf32, #tpu.memory_space<hbm>>)
    %dma_start3A_274 = arith.constant 192 : i32
    %dma_start3A_275 = tpu.memref_slice %arg5[%dma_start3A_274] : memref<256xi32, #tpu.memory_space<vmem>> -> memref<16xi32, #tpu.memory_space<vmem>>
    %dma_start3A_276 = arith.constant 0 : i32
    %dma_start3A_277 = arith.constant 0 : i32
    %dma_start3A_278 = tpu.memref_slice %arg2[%dma_start3A_276, %dma_start3A_277] : memref<100000x2048xf32, #tpu.memory_space<hbm>> -> memref<100000x2048xf32, #tpu.memory_space<hbm>>
    tpu.enqueue_indirect_dma source(%dma_start3A_278 : memref<100000x2048xf32, #tpu.memory_space<hbm>>) target(%arg6 : memref<16x2048xf32, #tpu.memory_space<vmem>>) offsets(%dma_start3A_275 : memref<16xi32, #tpu.memory_space<vmem>>) semaphore(%arg9 : memref<!tpu.dma_semaphore, #tpu.memory_space<semaphore_mem>>)
    %dma_wait3A_279 = arith.constant 176 : i32
    %dma_wait3A_280 = tpu.memref_slice %arg5[%dma_wait3A_279] : memref<256xi32, #tpu.memory_space<vmem>> -> memref<16xi32, #tpu.memory_space<vmem>>
    %dma_wait3A_281 = arith.constant 0 : i32
    %dma_wait3A_282 = arith.constant 0 : i32
    %dma_wait3A_283 = tpu.memref_slice %arg2[%dma_wait3A_281, %dma_wait3A_282] : memref<100000x2048xf32, #tpu.memory_space<hbm>> -> memref<100000x2048xf32, #tpu.memory_space<hbm>>
    tpu.wait_indirect_dma semaphore(%arg11 : memref<!tpu.dma_semaphore, #tpu.memory_space<semaphore_mem>>) src(%dma_wait3A_283 : memref<100000x2048xf32, #tpu.memory_space<hbm>>) dst(%arg8 : memref<16x2048xf32, #tpu.memory_space<vmem>>)
    %add3A_284 = arith.constant 176 : i32
    %add3A_285 = arith.addi %mul3A_2, %add3A_284 : i32
    %dma_start3A_286 = arith.constant 0 : i32
    %dma_start3A_287 = tpu.memref_slice %arg4[%add3A_285, %dma_start3A_286] : memref<8192x2048xf32, #tpu.memory_space<hbm>> -> memref<16x2048xf32, #tpu.memory_space<hbm>>
    %dma_start3A_288 = arith.constant 0 : i32
    %dma_start3A_289 = tpu.memref_slice %arg4[%add3A_285, %dma_start3A_288] : memref<8192x2048xf32, #tpu.memory_space<hbm>> -> memref<16x2048xf32, #tpu.memory_space<hbm>>
    tpu.enqueue_dma source(%arg8 : memref<16x2048xf32, #tpu.memory_space<vmem>>) target(%dma_start3A_289 : memref<16x2048xf32, #tpu.memory_space<hbm>>) target_semaphore(%arg14 : memref<!tpu.dma_semaphore, #tpu.memory_space<semaphore_mem>>)
    %add3A_290 = arith.constant 160 : i32
    %add3A_291 = arith.addi %mul3A_2, %add3A_290 : i32
    %dma_wait3A_292 = arith.constant 0 : i32
    %dma_wait3A_293 = tpu.memref_slice %arg4[%add3A_291, %dma_wait3A_292] : memref<8192x2048xf32, #tpu.memory_space<hbm>> -> memref<16x2048xf32, #tpu.memory_space<hbm>>
    %dma_wait3A_294 = arith.constant 0 : i32
    %dma_wait3A_295 = tpu.memref_slice %arg4[%add3A_291, %dma_wait3A_294] : memref<8192x2048xf32, #tpu.memory_space<hbm>> -> memref<16x2048xf32, #tpu.memory_space<hbm>>
    tpu.wait_dma2 semaphore(%arg13 : memref<!tpu.dma_semaphore, #tpu.memory_space<semaphore_mem>>) src(%arg7 : memref<16x2048xf32, #tpu.memory_space<vmem>>) dst(%dma_wait3A_295 : memref<16x2048xf32, #tpu.memory_space<hbm>>)
    %dma_start3A_296 = arith.constant 208 : i32
    %dma_start3A_297 = tpu.memref_slice %arg5[%dma_start3A_296] : memref<256xi32, #tpu.memory_space<vmem>> -> memref<16xi32, #tpu.memory_space<vmem>>
    %dma_start3A_298 = arith.constant 0 : i32
    %dma_start3A_299 = arith.constant 0 : i32
    %dma_start3A_300 = tpu.memref_slice %arg2[%dma_start3A_298, %dma_start3A_299] : memref<100000x2048xf32, #tpu.memory_space<hbm>> -> memref<100000x2048xf32, #tpu.memory_space<hbm>>
    tpu.enqueue_indirect_dma source(%dma_start3A_300 : memref<100000x2048xf32, #tpu.memory_space<hbm>>) target(%arg7 : memref<16x2048xf32, #tpu.memory_space<vmem>>) offsets(%dma_start3A_297 : memref<16xi32, #tpu.memory_space<vmem>>) semaphore(%arg10 : memref<!tpu.dma_semaphore, #tpu.memory_space<semaphore_mem>>)
    %dma_wait3A_301 = arith.constant 192 : i32
    %dma_wait3A_302 = tpu.memref_slice %arg5[%dma_wait3A_301] : memref<256xi32, #tpu.memory_space<vmem>> -> memref<16xi32, #tpu.memory_space<vmem>>
    %dma_wait3A_303 = arith.constant 0 : i32
    %dma_wait3A_304 = arith.constant 0 : i32
    %dma_wait3A_305 = tpu.memref_slice %arg2[%dma_wait3A_303, %dma_wait3A_304] : memref<100000x2048xf32, #tpu.memory_space<hbm>> -> memref<100000x2048xf32, #tpu.memory_space<hbm>>
    tpu.wait_indirect_dma semaphore(%arg9 : memref<!tpu.dma_semaphore, #tpu.memory_space<semaphore_mem>>) src(%dma_wait3A_305 : memref<100000x2048xf32, #tpu.memory_space<hbm>>) dst(%arg6 : memref<16x2048xf32, #tpu.memory_space<vmem>>)
    %add3A_306 = arith.constant 192 : i32
    %add3A_307 = arith.addi %mul3A_2, %add3A_306 : i32
    %dma_start3A_308 = arith.constant 0 : i32
    %dma_start3A_309 = tpu.memref_slice %arg4[%add3A_307, %dma_start3A_308] : memref<8192x2048xf32, #tpu.memory_space<hbm>> -> memref<16x2048xf32, #tpu.memory_space<hbm>>
    %dma_start3A_310 = arith.constant 0 : i32
    %dma_start3A_311 = tpu.memref_slice %arg4[%add3A_307, %dma_start3A_310] : memref<8192x2048xf32, #tpu.memory_space<hbm>> -> memref<16x2048xf32, #tpu.memory_space<hbm>>
    tpu.enqueue_dma source(%arg6 : memref<16x2048xf32, #tpu.memory_space<vmem>>) target(%dma_start3A_311 : memref<16x2048xf32, #tpu.memory_space<hbm>>) target_semaphore(%arg12 : memref<!tpu.dma_semaphore, #tpu.memory_space<semaphore_mem>>)
    %add3A_312 = arith.constant 176 : i32
    %add3A_313 = arith.addi %mul3A_2, %add3A_312 : i32
    %dma_wait3A_314 = arith.constant 0 : i32
    %dma_wait3A_315 = tpu.memref_slice %arg4[%add3A_313, %dma_wait3A_314] : memref<8192x2048xf32, #tpu.memory_space<hbm>> -> memref<16x2048xf32, #tpu.memory_space<hbm>>
    %dma_wait3A_316 = arith.constant 0 : i32
    %dma_wait3A_317 = tpu.memref_slice %arg4[%add3A_313, %dma_wait3A_316] : memref<8192x2048xf32, #tpu.memory_space<hbm>> -> memref<16x2048xf32, #tpu.memory_space<hbm>>
    tpu.wait_dma2 semaphore(%arg14 : memref<!tpu.dma_semaphore, #tpu.memory_space<semaphore_mem>>) src(%arg8 : memref<16x2048xf32, #tpu.memory_space<vmem>>) dst(%dma_wait3A_317 : memref<16x2048xf32, #tpu.memory_space<hbm>>)
    %dma_start3A_318 = arith.constant 224 : i32
    %dma_start3A_319 = tpu.memref_slice %arg5[%dma_start3A_318] : memref<256xi32, #tpu.memory_space<vmem>> -> memref<16xi32, #tpu.memory_space<vmem>>
    %dma_start3A_320 = arith.constant 0 : i32
    %dma_start3A_321 = arith.constant 0 : i32
    %dma_start3A_322 = tpu.memref_slice %arg2[%dma_start3A_320, %dma_start3A_321] : memref<100000x2048xf32, #tpu.memory_space<hbm>> -> memref<100000x2048xf32, #tpu.memory_space<hbm>>
    tpu.enqueue_indirect_dma source(%dma_start3A_322 : memref<100000x2048xf32, #tpu.memory_space<hbm>>) target(%arg8 : memref<16x2048xf32, #tpu.memory_space<vmem>>) offsets(%dma_start3A_319 : memref<16xi32, #tpu.memory_space<vmem>>) semaphore(%arg11 : memref<!tpu.dma_semaphore, #tpu.memory_space<semaphore_mem>>)
    %dma_wait3A_323 = arith.constant 208 : i32
    %dma_wait3A_324 = tpu.memref_slice %arg5[%dma_wait3A_323] : memref<256xi32, #tpu.memory_space<vmem>> -> memref<16xi32, #tpu.memory_space<vmem>>
    %dma_wait3A_325 = arith.constant 0 : i32
    %dma_wait3A_326 = arith.constant 0 : i32
    %dma_wait3A_327 = tpu.memref_slice %arg2[%dma_wait3A_325, %dma_wait3A_326] : memref<100000x2048xf32, #tpu.memory_space<hbm>> -> memref<100000x2048xf32, #tpu.memory_space<hbm>>
    tpu.wait_indirect_dma semaphore(%arg10 : memref<!tpu.dma_semaphore, #tpu.memory_space<semaphore_mem>>) src(%dma_wait3A_327 : memref<100000x2048xf32, #tpu.memory_space<hbm>>) dst(%arg7 : memref<16x2048xf32, #tpu.memory_space<vmem>>)
    %add3A_328 = arith.constant 208 : i32
    %add3A_329 = arith.addi %mul3A_2, %add3A_328 : i32
    %dma_start3A_330 = arith.constant 0 : i32
    %dma_start3A_331 = tpu.memref_slice %arg4[%add3A_329, %dma_start3A_330] : memref<8192x2048xf32, #tpu.memory_space<hbm>> -> memref<16x2048xf32, #tpu.memory_space<hbm>>
    %dma_start3A_332 = arith.constant 0 : i32
    %dma_start3A_333 = tpu.memref_slice %arg4[%add3A_329, %dma_start3A_332] : memref<8192x2048xf32, #tpu.memory_space<hbm>> -> memref<16x2048xf32, #tpu.memory_space<hbm>>
    tpu.enqueue_dma source(%arg7 : memref<16x2048xf32, #tpu.memory_space<vmem>>) target(%dma_start3A_333 : memref<16x2048xf32, #tpu.memory_space<hbm>>) target_semaphore(%arg13 : memref<!tpu.dma_semaphore, #tpu.memory_space<semaphore_mem>>)
    %add3A_334 = arith.constant 192 : i32
    %add3A_335 = arith.addi %mul3A_2, %add3A_334 : i32
    %dma_wait3A_336 = arith.constant 0 : i32
    %dma_wait3A_337 = tpu.memref_slice %arg4[%add3A_335, %dma_wait3A_336] : memref<8192x2048xf32, #tpu.memory_space<hbm>> -> memref<16x2048xf32, #tpu.memory_space<hbm>>
    %dma_wait3A_338 = arith.constant 0 : i32
    %dma_wait3A_339 = tpu.memref_slice %arg4[%add3A_335, %dma_wait3A_338] : memref<8192x2048xf32, #tpu.memory_space<hbm>> -> memref<16x2048xf32, #tpu.memory_space<hbm>>
    tpu.wait_dma2 semaphore(%arg12 : memref<!tpu.dma_semaphore, #tpu.memory_space<semaphore_mem>>) src(%arg6 : memref<16x2048xf32, #tpu.memory_space<vmem>>) dst(%dma_wait3A_339 : memref<16x2048xf32, #tpu.memory_space<hbm>>)
    %dma_start3A_340 = arith.constant 240 : i32
    %dma_start3A_341 = tpu.memref_slice %arg5[%dma_start3A_340] : memref<256xi32, #tpu.memory_space<vmem>> -> memref<16xi32, #tpu.memory_space<vmem>>
    %dma_start3A_342 = arith.constant 0 : i32
    %dma_start3A_343 = arith.constant 0 : i32
    %dma_start3A_344 = tpu.memref_slice %arg2[%dma_start3A_342, %dma_start3A_343] : memref<100000x2048xf32, #tpu.memory_space<hbm>> -> memref<100000x2048xf32, #tpu.memory_space<hbm>>
    tpu.enqueue_indirect_dma source(%dma_start3A_344 : memref<100000x2048xf32, #tpu.memory_space<hbm>>) target(%arg6 : memref<16x2048xf32, #tpu.memory_space<vmem>>) offsets(%dma_start3A_341 : memref<16xi32, #tpu.memory_space<vmem>>) semaphore(%arg9 : memref<!tpu.dma_semaphore, #tpu.memory_space<semaphore_mem>>)
    %dma_wait3A_345 = arith.constant 224 : i32
    %dma_wait3A_346 = tpu.memref_slice %arg5[%dma_wait3A_345] : memref<256xi32, #tpu.memory_space<vmem>> -> memref<16xi32, #tpu.memory_space<vmem>>
    %dma_wait3A_347 = arith.constant 0 : i32
    %dma_wait3A_348 = arith.constant 0 : i32
    %dma_wait3A_349 = tpu.memref_slice %arg2[%dma_wait3A_347, %dma_wait3A_348] : memref<100000x2048xf32, #tpu.memory_space<hbm>> -> memref<100000x2048xf32, #tpu.memory_space<hbm>>
    tpu.wait_indirect_dma semaphore(%arg11 : memref<!tpu.dma_semaphore, #tpu.memory_space<semaphore_mem>>) src(%dma_wait3A_349 : memref<100000x2048xf32, #tpu.memory_space<hbm>>) dst(%arg8 : memref<16x2048xf32, #tpu.memory_space<vmem>>)
    %add3A_350 = arith.constant 224 : i32
    %add3A_351 = arith.addi %mul3A_2, %add3A_350 : i32
    %dma_start3A_352 = arith.constant 0 : i32
    %dma_start3A_353 = tpu.memref_slice %arg4[%add3A_351, %dma_start3A_352] : memref<8192x2048xf32, #tpu.memory_space<hbm>> -> memref<16x2048xf32, #tpu.memory_space<hbm>>
    %dma_start3A_354 = arith.constant 0 : i32
    %dma_start3A_355 = tpu.memref_slice %arg4[%add3A_351, %dma_start3A_354] : memref<8192x2048xf32, #tpu.memory_space<hbm>> -> memref<16x2048xf32, #tpu.memory_space<hbm>>
    tpu.enqueue_dma source(%arg8 : memref<16x2048xf32, #tpu.memory_space<vmem>>) target(%dma_start3A_355 : memref<16x2048xf32, #tpu.memory_space<hbm>>) target_semaphore(%arg14 : memref<!tpu.dma_semaphore, #tpu.memory_space<semaphore_mem>>)
    %dma_wait3A_356 = arith.constant 240 : i32
    %dma_wait3A_357 = tpu.memref_slice %arg5[%dma_wait3A_356] : memref<256xi32, #tpu.memory_space<vmem>> -> memref<16xi32, #tpu.memory_space<vmem>>
    %dma_wait3A_358 = arith.constant 0 : i32
    %dma_wait3A_359 = arith.constant 0 : i32
    %dma_wait3A_360 = tpu.memref_slice %arg2[%dma_wait3A_358, %dma_wait3A_359] : memref<100000x2048xf32, #tpu.memory_space<hbm>> -> memref<100000x2048xf32, #tpu.memory_space<hbm>>
    tpu.wait_indirect_dma semaphore(%arg9 : memref<!tpu.dma_semaphore, #tpu.memory_space<semaphore_mem>>) src(%dma_wait3A_360 : memref<100000x2048xf32, #tpu.memory_space<hbm>>) dst(%arg6 : memref<16x2048xf32, #tpu.memory_space<vmem>>)
    %add3A_361 = arith.constant 240 : i32
    %add3A_362 = arith.addi %mul3A_2, %add3A_361 : i32
    %dma_start3A_363 = arith.constant 0 : i32
    %dma_start3A_364 = tpu.memref_slice %arg4[%add3A_362, %dma_start3A_363] : memref<8192x2048xf32, #tpu.memory_space<hbm>> -> memref<16x2048xf32, #tpu.memory_space<hbm>>
    %dma_start3A_365 = arith.constant 0 : i32
    %dma_start3A_366 = tpu.memref_slice %arg4[%add3A_362, %dma_start3A_365] : memref<8192x2048xf32, #tpu.memory_space<hbm>> -> memref<16x2048xf32, #tpu.memory_space<hbm>>
    tpu.enqueue_dma source(%arg6 : memref<16x2048xf32, #tpu.memory_space<vmem>>) target(%dma_start3A_366 : memref<16x2048xf32, #tpu.memory_space<hbm>>) target_semaphore(%arg12 : memref<!tpu.dma_semaphore, #tpu.memory_space<semaphore_mem>>)
    %add3A_367 = arith.constant 208 : i32
    %add3A_368 = arith.addi %mul3A_2, %add3A_367 : i32
    %dma_wait3A_369 = arith.constant 0 : i32
    %dma_wait3A_370 = tpu.memref_slice %arg4[%add3A_368, %dma_wait3A_369] : memref<8192x2048xf32, #tpu.memory_space<hbm>> -> memref<16x2048xf32, #tpu.memory_space<hbm>>
    %dma_wait3A_371 = arith.constant 0 : i32
    %dma_wait3A_372 = tpu.memref_slice %arg4[%add3A_368, %dma_wait3A_371] : memref<8192x2048xf32, #tpu.memory_space<hbm>> -> memref<16x2048xf32, #tpu.memory_space<hbm>>
    tpu.wait_dma2 semaphore(%arg13 : memref<!tpu.dma_semaphore, #tpu.memory_space<semaphore_mem>>) src(%arg7 : memref<16x2048xf32, #tpu.memory_space<vmem>>) dst(%dma_wait3A_372 : memref<16x2048xf32, #tpu.memory_space<hbm>>)
    %add3A_373 = arith.constant 224 : i32
    %add3A_374 = arith.addi %mul3A_2, %add3A_373 : i32
    %dma_wait3A_375 = arith.constant 0 : i32
    %dma_wait3A_376 = tpu.memref_slice %arg4[%add3A_374, %dma_wait3A_375] : memref<8192x2048xf32, #tpu.memory_space<hbm>> -> memref<16x2048xf32, #tpu.memory_space<hbm>>
    %dma_wait3A_377 = arith.constant 0 : i32
    %dma_wait3A_378 = tpu.memref_slice %arg4[%add3A_374, %dma_wait3A_377] : memref<8192x2048xf32, #tpu.memory_space<hbm>> -> memref<16x2048xf32, #tpu.memory_space<hbm>>
    tpu.wait_dma2 semaphore(%arg14 : memref<!tpu.dma_semaphore, #tpu.memory_space<semaphore_mem>>) src(%arg8 : memref<16x2048xf32, #tpu.memory_space<vmem>>) dst(%dma_wait3A_378 : memref<16x2048xf32, #tpu.memory_space<hbm>>)
    %add3A_379 = arith.constant 240 : i32
    %add3A_380 = arith.addi %mul3A_2, %add3A_379 : i32
    %dma_wait3A_381 = arith.constant 0 : i32
    %dma_wait3A_382 = tpu.memref_slice %arg4[%add3A_380, %dma_wait3A_381] : memref<8192x2048xf32, #tpu.memory_space<hbm>> -> memref<16x2048xf32, #tpu.memory_space<hbm>>
    %dma_wait3A_383 = arith.constant 0 : i32
    %dma_wait3A_384 = tpu.memref_slice %arg4[%add3A_380, %dma_wait3A_383] : memref<8192x2048xf32, #tpu.memory_space<hbm>> -> memref<16x2048xf32, #tpu.memory_space<hbm>>
    tpu.wait_dma2 semaphore(%arg12 : memref<!tpu.dma_semaphore, #tpu.memory_space<semaphore_mem>>) src(%arg6 : memref<16x2048xf32, #tpu.memory_space<vmem>>) dst(%dma_wait3A_384 : memref<16x2048xf32, #tpu.memory_space<hbm>>)
    return
  }
}

</mosaic_0001>

<sc_bundles>
// kernel: kernel.3.cloned.1.call-start
scs
__scs_entry_jumppad:
0x0: {  	(pc) =	sbr.rel $0x88, $3  }
0x1: {  	(tag) =	ssettag $0x0;
	lr =	simm.s32 $0x1  }
0x2: {  	[smem:$0x3F9E] =	sst lr;
	_ =	strace $0xD0000000  }
0x3: {  	_ = 	snop  }
0x4: {  	_ = 	snop  }
0x5: {  	_ = 	snop  }
0x6: {  	_ = 	snop  }
0x7: {  	_ = 	snop  }
__scs_overlays_trampoline_lowered:
0x8: {  	[smem:$0x3FAD] =	sst s0  }
0x9: {  	[smem:$0x3FAE] =	sst s1  }
0xa: {  	[smem:$0x3FAF] =	sst s2  }
0xb: {  	[smem:$0x3FB0] =	sst s3  }
0xc: {  	[smem:$0x3FB1] =	sst s4  }
0xd: {  	[smem:$0x3FB2] =	sst s5  }
0xe: {  	[smem:$0x3FB3] =	sst s6  }
0xf: {  	[smem:$0x3FB4] =	sst s7  }
0x10: {  	[smem:$0x3FB5] =	sst s8  }
0x11: {  	[smem:$0x3FB6] =	sst s9;
	s0 =	simm.s32 @!p0 $0x0  }
0x12: {  	s1 =	sld [smem:$0x3F9C];
	s0 =	simm.s32 @p0 $0x1  }
0x13: {  	[smem:$0x3FB7] =	sst s0;
	s0 =	simm.s32 @!p1 $0x0  }
0x14: {  	s2 =	sld [smem:$0x3F9B];
	s0 =	simm.s32 @p1 $0x1  }
0x15: {  	[smem:$0x3FB8] =	sst s0;
	s0 =	simm.s32 @!p2 $0x0  }
0x16: {  	s3 =	sld [smem:$0x3FDB];
	s0 =	simm.s32 @p2 $0x1  }
0x17: {  	s4 =	simm.s32 $0x1BF5;
	[smem:$0x3FBA] =	sst s0  }
0x18: {  	s0 =	sld [smem:$0x3F9D];
	_ =	swait.ge [sflag:s4], $0x0  }
0x19: {  	s7 =	sld [smem:$0x3F9E]  }
0x1a: {  	s8 =	sadd.s32 $0xFFFFE003, lr  }
0x1b: {  	s9 =	sadd.s32 $0xFFFFFEF7, lr;
	s5 =	simm.s32 $0xFFFFFFFF;
	p2 =	slt.u32 s8, $0xFFFFF086  }
0x1c: {  	p1 =	slt.u32 s9, $0xF7A;
	s5 =	simm.s32 @!p2 $0x0  }
0x1d: {  	s5 =	simm.s32 @p1 $0x1;
	p0 =	seq.s32 s7, s2  }
0x1e: {  	s7 =	smul.u32 @!p0 $0xF7A, s2;
	p2 =	seq.s32 @!p0 s5, $0x0  }
0x1f: {  	s9 =	smul.u32 $0xF7A, s1;
	s8 =	simm.s32 @!p0 $0x1BF5;
	p2 =	por !p2, p0  }
0x20: {  	[sflag:s8] =	ssyncset.s32 @!p0 $0xFFFFF086;
	s6 =	sadd.s32 @!p0 s3, s7;
	s7 =	simm.s32 @!p0 $0x108  }
0x21: {  	s3 =	sadd.s32 s3, s9;
	s6 =	sadd.s32 @!p0 $0x88, s6;
	s7 =	simm.s32 @p2 $0x1082  }
0x22: {  	[simem:s7], [sflag:s8] =	dma.local @!p0 [hbm:s6], $0xF7A  }
0x23: {  	s9 =	sor.u32 $0xD0000000, s2;
	s6 =	simm.s32 $0x108;
	_ =	swait.ge @!p0 [sflag:s8], $0x0  }
0x24: {  	s3 =	sadd.s32 $0x88, s3;
	s6 =	simm.s32 @!p1 $0x1082;
	[sflag:s4] =	ssyncset.s32 $0xFFFFF086  }
0x25: {  	[simem:s6], [sflag:s4] =	dma.local [hbm:s3], $0xF7A  }
0x26: {  	[smem:$0x3F9E] =	sst s1;
	(tag) =	ssettag s2;
	_ =	strace s9  }
0x27: {  	s1 =	sld [smem:$0x3FAE]  }
0x28: {  	s2 =	sld [smem:$0x3FAF]  }
0x29: {  	s4 =	sld [smem:$0x3FB1]  }
0x2a: {  	p0 =	seq.s32 s5, $0x0;
	s5 =	sld [smem:$0x3FB2]  }
0x2b: {  	s6 =	sld [smem:$0x3FB3]  }
0x2c: {  	s7 =	sld [smem:$0x3FB4]  }
0x2d: {  	s3 =	simm.s32 $0x108;
	s8 =	sld [smem:$0x3FB5]  }
0x2e: {  	s3 =	simm.s32 @!p0 $0x1082;
	s9 =	sld [smem:$0x3FB6]  }
0x2f: {  	lr =	sadd.s32 s0, s3;
	s0 =	sld [smem:$0x3FAD]  }
0x30: {  	s3 =	sld [smem:$0x3FB0]  }
0x31: {  	[smem:$0x3FB9] =	sst s10  }
0x32: {  	s10 =	sld [smem:$0x3FB7];
	_ =	sdelay $0x3  }
0x33: {  	p0 =	seq.s32 s10, $0x1;
	s10 =	sld [smem:$0x3FB9];
	_ =	sdelay $0x3  }
0x34: {  	[smem:$0x3FB9] =	sst s10  }
0x35: {  	s10 =	sld [smem:$0x3FB8];
	_ =	sdelay $0x3  }
0x36: {  	p1 =	seq.s32 s10, $0x1;
	s10 =	sld [smem:$0x3FB9];
	_ =	sdelay $0x3  }
0x37: {  	[smem:$0x3FB9] =	sst s10  }
0x38: {  	s10 =	sld [smem:$0x3FBA]  }
0x39: {  	_ = 	snop;
	(pc) =	sbr.ind lr, $3  }
0x3a: {  	_ = 	snop  }
0x3b: {  	_ = 	snop  }
0x3c: {  	p2 =	seq.s32 s10, $0x1;
	s10 =	sld [smem:$0x3FB9]  }
0x3d: {  	_ =	shalt  }
0x3e: {  	_ =	shalt  }
0x3f: {  	_ =	shalt  }
0x40: {  	_ =	shalt  }
0x41: {  	_ =	shalt  }
0x42: {  	_ =	shalt  }
0x43: {  	_ =	shalt  }
0x44: {  	_ =	shalt  }
0x45: {  	_ =	shalt  }
0x46: {  	_ =	shalt  }
0x47: {  	_ =	shalt  }
0x48: {  	_ =	shalt  }
0x49: {  	_ =	shalt  }
0x4a: {  	_ =	shalt  }
0x4b: {  	_ =	shalt  }
0x4c: {  	_ =	shalt  }
0x4d: {  	_ =	shalt  }
0x4e: {  	_ =	shalt  }
0x4f: {  	_ =	shalt  }
0x50: {  	_ =	shalt  }
0x51: {  	_ =	shalt  }
0x52: {  	_ =	shalt  }
0x53: {  	_ =	shalt  }
0x54: {  	_ =	shalt  }
0x55: {  	_ =	shalt  }
0x56: {  	_ =	shalt  }
0x57: {  	_ =	shalt  }
0x58: {  	_ =	shalt  }
0x59: {  	_ =	shalt  }
0x5a: {  	_ =	shalt  }
0x5b: {  	_ =	shalt  }
0x5c: {  	_ =	shalt  }
0x5d: {  	_ =	shalt  }
0x5e: {  	_ =	shalt  }
0x5f: {  	_ =	shalt  }
0x60: {  	_ =	shalt  }
0x61: {  	_ =	shalt  }
0x62: {  	_ =	shalt  }
0x63: {  	_ =	shalt  }
0x64: {  	_ =	shalt  }
0x65: {  	_ =	shalt  }
0x66: {  	_ =	shalt  }
0x67: {  	_ =	shalt  }
0x68: {  	_ =	shalt  }
0x69: {  	_ =	shalt  }
0x6a: {  	_ =	shalt  }
0x6b: {  	_ =	shalt  }
0x6c: {  	_ =	shalt  }
0x6d: {  	_ =	shalt  }
0x6e: {  	_ =	shalt  }
0x6f: {  	_ =	shalt  }
0x70: {  	_ =	shalt  }
0x71: {  	_ =	shalt  }
0x72: {  	_ =	shalt  }
0x73: {  	_ =	shalt  }
0x74: {  	_ =	shalt  }
0x75: {  	_ =	shalt  }
0x76: {  	_ =	shalt  }
0x77: {  	_ =	shalt  }
0x78: {  	_ =	shalt  }
0x79: {  	_ =	shalt  }
0x7a: {  	_ =	shalt  }
0x7b: {  	_ =	shalt  }
0x7c: {  	_ =	shalt  }
0x7d: {  	_ =	shalt  }
0x7e: {  	_ =	shalt  }
0x7f: {  	_ =	shalt  }
0x80: {  	_ =	shalt  }
0x81: {  	_ =	shalt  }
0x82: {  	_ =	shalt  }
0x83: {  	_ =	shalt  }
0x84: {  	_ =	shalt  }
0x85: {  	_ =	shalt  }
0x86: {  	_ =	shalt  }
0x87: {  	_ =	shalt  }
.Lfunc_end0:
.L_simem_size_0:
called_computation_lowered:
.L_overlay_start_0:
0x88: {  	s2 =	sld [smem:$0x3FD9]  }
0x89: {  	s3 =	sld [smem:$0x3FFE];
	_ =	sdelay $0x1  }
0x8a: {  	s1 =	srdreg.scid  }
0x8b: {  	s0 =	sand.u32 $0x1, s1  }
0x8c: {  	s15 =	sshll.u32 s0, $0xA;
	s2 =	sadd.s32 s3, s2  }
0x8d: {  	s2 =	sadd.s32 s2, s15  }
0x8e: {  	[smem:$0x3FC5] =	sst s2  }
0x8f: {  	_ = 	snop  }
0x90: {  	s2 =	sld [smem:$0x3FD0];
	_ =	sdelay $0x1  }
0x91: {  	s16 =	sld [smem:$0x3FC9]  }
0x92: {  	s5 =	simm.s32 $0xA;
	s6 =	simm.s32 $0x10;
	s4 =	sld [smem:$0x3FC7]  }
0x93: {  	[smem:s6], [sflag:s5] =	dma.local [hbm:s2], $0x1  }
0x94: {  	_ =	swait.eq [sflag:s5], $0x1  }
0x95: {  	[sflag:s5] =	ssyncset.done $0x0  }
0x96: {  	[sflag:s5] =	ssyncadd.s32 $0xFFFFFFFF  }
0x97: {  	s17 =	sld [smem:$0x10];
	(tm) =	ssettm $0x1  }
0x98: {  	s18 =	sld [smem:$0x3FFB];
	_ =	sdelay $0x3  }
0x99: {  	_ =	strace s18  }
0x9a: {  	s5 =	sld [smem:$0x3FFC];
	_ =	sdelay $0x3  }
0x9b: {  	_ =	strace s5  }
0x9c: {  	s5 =	sld [smem:$0x3FFD];
	_ =	sdelay $0x3  }
0x9d: {  	_ =	strace s5  }
0x9e: {  	_ =	strace $0x8FFFFFFF  }
0x9f: {  	s19 =	sld [smem:$0x3FDB];
	_ =	sdelay $0x1  }
0xa0: {  	s20 =	simm.s32 $_scs_section_size  }
0xa1: {  	s7 =	simm.s32 $_size__tile_overlayer_lowered;
	s8 =	simm.s32 $_tile_overlayer_lowered  }
0xa2: {  	s23 =	simm.s32 $0x1BFF;
	s22 =	sshll.u32 s8, $0x1;
	s5 =	sadd.s32 s20, s19  }
0xa3: {  	s9 =	simm.s32 $0x0;
	s21 =	sshll.u32 s7, $0x1;
	s7 =	sadd.s32 s22, s5  }
0xa4: {  	[timem:s9], [sflag:s23] =	dma.local [hbm:s7], s21  }
0xa5: {  	_ =	swait.ge [sflag:s23], s21  }
0xa6: {  	s6 =	ssub.s32 $0x0, s21;
	[sflag:s23] =	ssyncset.done $0x0  }
0xa7: {  	[sflag:s23] =	ssyncadd.s32 s6;
	_ =	sdelay $0x1  }
0xa8: {  	s24 =	simm.s32 $0x1B8B  }
0xa9: {  	_ =	swait.ge [sflag:s24], $0x1  }
0xaa: {  	[sflag:s24] =	ssyncset.done $0x0  }
0xab: {  	s25 =	simm.s32 $0x1B8E;
	[sflag:s24] =	ssyncadd.s32 $0xFFFFFFFF  }
0xac: {  	s26 =	simm.s32 $execute0_lowered;
	[smem:$0x3FD2] =	sst s25  }
0xad: {  	s6 =	sshll.u32 s26, $0x1;
	_ =	strace $0x80000046;
	[dreg:$0x1] =	wrdreg $0xFFFFFFFF  }
0xae: {  	s28 =	simm.s32 $_size_execute0_lowered;
	s5 =	sadd.s32 s5, s6;
	[dreg:$0x0] =	wrdreg $0x0  }
0xaf: {  	s6 =	sshll.u32 s28, $0x1;
	[dreg:$0x2] =	wrdreg s5  }
0xb0: {  	[dreg:$0x3] =	wrdreg s6  }
0xb1: {  	[dreg:$0x4] =	wrdreg $0xC0  }
0xb2: {  	_ =	task [dreg:s9], $0x5FFFF  }
0xb3: {  	[dreg:$0x1] =	wrdreg $0xFFFFFFFF  }
0xb4: {  	[dreg:$0x0] =	wrdreg $0x60  }
0xb5: {  	[dreg:$0x2] =	wrdreg s4  }
0xb6: {  	[dreg:$0x3] =	wrdreg s16  }
0xb7: {  	[dreg:$0x4] =	wrdreg s17  }
0xb8: {  	[dreg:$0x5] =	wrdreg $0x9  }
0xb9: {  	_ =	task.clear_ibuf [dreg:s9], $0x6FFFF;
	_ =	strace $0x90000046  }
0xba: {  	s29 =	simm.s32 $0x9;
	_ =	strace $0x80000048  }
0xbb: {  	_ =	swait.ge [sflag:s29], $0x1  }
0xbc: {  	[sflag:s29] =	ssyncadd.s32 $0xFFFFFFFF  }
0xbd: {  	_ =	strace $0x90000048  }
0xbe: {  	_ =	sfence  }
0xbf: {  	s30 =	sld [smem:$0x0];
	_ =	sdelay $0x2  }
0xc0: {  	s31 =	sshll.u32 s1, $0xD;
	s1 =	sshrl.u32 s1, $0x2  }
0xc1: {  	s3 =	sand.u32 $0x4000, s31;
	s1 =	sadd.s32 s1, s30  }
0xc2: {  	s0 =	sor.u32 s3, s0;
	s1 =	sshll.u32 s1, $0x11  }
0xc3: {  	s0 =	sor.u32 s1, s0  }
0xc4: {  	s0 =	sadd.s32 $0x8F2B, s0  }
0xc5: {  	[sflag:s0] =	ssyncadd.remote.s32 $0x1  }
0xc6: {  	_ =	sfence.sel $0xFFFF  }
0xc7: {  	[dreg:$0x0] =	wrdreg $0xFFFFFFFF;
	(pc) =	sbr.abs _section_cstart, $3  }
0xc8: {  	[dreg:$0x1] =	wrdreg $0xFFFFFFFF  }
0xc9: {  	_ =	task.clear_ibuf [dreg:s9], $0x2FFFF;
	_ =	strace $0x9FFFFFFF  }
0xca: {  	(tm) =	ssettm $0x7FFFFFFF  }
0xcb: {  	_ =	shalt  }
tec
execute0_lowered:
.L_overlay_start_1:
0x0: {  	(tag) =	ssettag $0x1  }
0x1: {  	s2 =	rddreg [dreg:$0x0]  }
0x2: {  	s0 =	rddreg [dreg:$0x1]  }
0x3: {  	s1 =	rddreg [dreg:$0x2];
	s3 =	srdreg.scid  }
0x4: {  	s6 =	stileid.u32;
	s30 =	simm.s32 $0x80;
	s31 =	simm.s32 $0x200  }
0x5: {  	s4 =	sand.u32 $0x1, s3;
	s5 =	sshll.u32 s6, $0x1;
	s6 =	sshll.u32 s6, $0x2  }
0x6: {  	s3 =	simm.s32 $0x0;
	s5 =	sor.u32 s4, s5;
	s6 =	sand.u32 $0x30, s6  }
0x7: {  	[smem:$0x7FF] =	sst s3;
	s7 =	sshll.u32 s5, $0x7;
	s0 =	sadd.s32 s0, s6  }
0x8: {  	s5 =	sshll.u32 s5, $0x10;
	_ =	strace $0x80000047;
	[dreg:$0x14] =	wrdreg s30  }
0x9: {  	[dreg:$0x15] =	wrdreg s31;
	s7 =	sand.u32 $0x380, s7;
	s10 =	sadd.s32 s1, s5  }
0xa: {  	s0 =	sadd.s32 s7, s0;
	[dreg:$0x16] =	wrdreg s10  }
0xb: {  	s13 =	sadd.s32 $0x1000, s10;
	[dreg:$0x4] =	wrdreg s0  }
0xc: {  	s14 =	sadd.s32 $0x2000, s10;
	[dreg:$0x5] =	wrdreg s13  }
0xd: {  	s15 =	sadd.s32 $0x3000, s10;
	[dreg:$0x6] =	wrdreg s14  }
0xe: {  	s8 =	sadd.s32 $0x400, s2;
	s16 =	sadd.s32 $0x4000, s10;
	[dreg:$0x7] =	wrdreg s15  }
0xf: {  	s9 =	sadd.s32 $0x500, s2;
	s17 =	sadd.s32 $0x5000, s10;
	[dreg:$0x8] =	wrdreg s16  }
0x10: {  	s11 =	sadd.s32 $0x700, s2;
	s18 =	sadd.s32 $0x6000, s10;
	[dreg:$0x9] =	wrdreg s17  }
0x11: {  	s20 =	ssub.s32 $0x2, s4;
	s19 =	sadd.s32 $0x7000, s10;
	[dreg:$0xa] =	wrdreg s18  }
0x12: {  	s4 =	sshrl.u32 s20, $0x1;
	s21 =	sadd.s32 $0x8000, s10;
	[dreg:$0xb] =	wrdreg s19  }
0x13: {  	s6 =	sadd.s32 $0x200, s2;
	s22 =	sadd.s32 $0x9000, s10;
	[dreg:$0xc] =	wrdreg s21  }
0x14: {  	s1 =	ssub.s32 s20, s4;
	s23 =	sadd.s32 $0xA000, s10;
	[dreg:$0xd] =	wrdreg s22  }
0x15: {  	s5 =	sadd.s32 $0x100, s2;
	s24 =	sadd.s32 $0xB000, s10;
	[dreg:$0xe] =	wrdreg s23  }
0x16: {  	s4 =	simm.s32 $0x4;
	s25 =	sadd.s32 $0xC000, s10;
	[dreg:$0xf] =	wrdreg s24  }
0x17: {  	s7 =	sadd.s32 $0x300, s2;
	s26 =	sadd.s32 $0xD000, s10;
	[dreg:$0x10] =	wrdreg s25  }
0x18: {  	s28 =	sadd.s32 $0xE000, s10;
	s29 =	sadd.s32 $0xF000, s10;
	[dreg:$0x11] =	wrdreg s26  }
0x19: {  	v2 =	vlaneseq.u32;
	s10 =	sadd.s32 $0x600, s2;
	s12 =	smax.u32 s1, $0x1;
	[dreg:$0x12] =	wrdreg s28  }
0x1a: {  	vm0 =	vmmov $0xffff;
	v1 =	vshrl.u32 v2, $0x3;
	[dreg:$0x13] =	wrdreg s29;
	s0 =	simm.s32 $0x1;
	s13 =	simm.s32 $0x2  }
0x1b: {  	v0 =	vand.u32 $0x7, v2;
	v2 =	vor.u32 $0x8, v2;
	v1 =	vmul.u32 $0x8, v1;
	s15 =	simm.s32 $0x3;
	s16 =	simm.s32 $0x5;
	s17 =	simm.s32 $0x6  }
.LBB2_1:
0x1c: {  	[dreg:$0x17] =	wrdreg s12  }
0x1d: {  	s18 =	rddreg [dreg:$0x4]  }
0x1e: {  	s19 =	rddreg [dreg:$0x14]  }
0x1f: {  	s20 =	rddreg [dreg:$0x15];
	s30 =	simm.s32 $0x7  }
0x20: {  	[tilespmem:s3], [sflag:$0x7] =	stream.strided.gather [hbm4b:s18+s19], $0x100, s20, s19, $0x38;
	[tilespmem:$0x18100] =	vst v63  }
0x21: {  	_ =	swait.ge [sflag:s30], $0x100  }
0x22: {  	[sflag:s30] =	ssyncset.done $0x0  }
0x23: {  	[sflag:s30] =	ssyncadd.s32 $0xFFFFFF00  }
0x24: {  	v3 =	vld [tilespmem:$0x0];
	_ =	sdelay $0x4  }
0x25: {  	v4 =	vshll.u32 v3, $0x4  }
0x26: {  	v3 =	vand.u32 $0x7, v3;
	v4 =	vand.u32 $0xFFFFFF80, v4  }
0x27: {  	v3 =	vor.u32 v3, v4  }
0x28: {  	v4 =	vperm.xlane v3, v0;
	_ =	sdelay $0x1  }
0x29: {  	v4 =	vadd.s32 v1, v4;
	_ =	sdelay $0x3  }
0x2a: {  	s20 =	simm.s32 $0x100  }
0x2b: {  	[tilespmem:s20], [sflag:$0x1] =	stream.indirect_vreg.gather [hbm4b:s2+s3], $0x80, v4, vm0, $0xb8;
	[tilespmem:$0x18100] =	vst v63  }
0x2c: {  	s31 =	simm.s32 $0x900  }
0x2d: {  	[tilespmem:s31], [sflag:$0x1] =	stream.indirect_vreg.gather [hbm4b:s5+s3], $0x80, v4, vm0, $0xb8;
	[tilespmem:$0x18100] =	vst v63  }
0x2e: {  	s1 =	simm.s32 $0x1100  }
0x2f: {  	[tilespmem:s1], [sflag:$0x1] =	stream.indirect_vreg.gather [hbm4b:s6+s3], $0x80, v4, vm0, $0xb8;
	[tilespmem:$0x18100] =	vst v63  }
0x30: {  	s12 =	simm.s32 $0x1900  }
0x31: {  	[tilespmem:s12], [sflag:$0x1] =	stream.indirect_vreg.gather [hbm4b:s7+s3], $0x80, v4, vm0, $0xb8;
	[tilespmem:$0x18100] =	vst v63  }
0x32: {  	s14 =	simm.s32 $0x2100  }
0x33: {  	[tilespmem:s14], [sflag:$0x1] =	stream.indirect_vreg.gather [hbm4b:s8+s3], $0x80, v4, vm0, $0xb8;
	[tilespmem:$0x18100] =	vst v63  }
0x34: {  	s19 =	simm.s32 $0x2900;
	v3 =	vperm.xlane v3, v2  }
0x35: {  	[tilespmem:s19], [sflag:$0x1] =	stream.indirect_vreg.gather [hbm4b:s9+s3], $0x80, v4, vm0, $0xb8;
	[tilespmem:$0x18100] =	vst v63  }
0x36: {  	s21 =	simm.s32 $0x3100;
	v3 =	vadd.s32 v1, v3  }
0x37: {  	[tilespmem:s21], [sflag:$0x1] =	stream.indirect_vreg.gather [hbm4b:s10+s3], $0x80, v4, vm0, $0xb8;
	[tilespmem:$0x18100] =	vst v63  }
0x38: {  	s23 =	simm.s32 $0x3900  }
0x39: {  	[tilespmem:s23], [sflag:$0x1] =	stream.indirect_vreg.gather [hbm4b:s11+s3], $0x80, v4, vm0, $0xb8;
	[tilespmem:$0x18100] =	vst v63  }
0x3a: {  	s24 =	simm.s32 $0x4100  }
0x3b: {  	[tilespmem:s24], [sflag:$0x1] =	stream.indirect_vreg.gather [hbm4b:s2+s3], $0x80, v3, vm0, $0xb8;
	[tilespmem:$0x18100] =	vst v63  }
0x3c: {  	s25 =	simm.s32 $0x4900  }
0x3d: {  	[tilespmem:s25], [sflag:$0x1] =	stream.indirect_vreg.gather [hbm4b:s5+s3], $0x80, v3, vm0, $0xb8;
	[tilespmem:$0x18100] =	vst v63  }
0x3e: {  	s26 =	simm.s32 $0x5100  }
0x3f: {  	[tilespmem:s26], [sflag:$0x1] =	stream.indirect_vreg.gather [hbm4b:s6+s3], $0x80, v3, vm0, $0xb8;
	[tilespmem:$0x18100] =	vst v63  }
0x40: {  	s28 =	simm.s32 $0x5900  }
0x41: {  	[tilespmem:s28], [sflag:$0x1] =	stream.indirect_vreg.gather [hbm4b:s7+s3], $0x80, v3, vm0, $0xb8;
	[tilespmem:$0x18100] =	vst v63  }
0x42: {  	s29 =	simm.s32 $0x6100  }
0x43: {  	[tilespmem:s29], [sflag:$0x1] =	stream.indirect_vreg.gather [hbm4b:s8+s3], $0x80, v3, vm0, $0xb8;
	[tilespmem:$0x18100] =	vst v63  }
0x44: {  	s31 =	simm.s32 $0x6900  }
0x45: {  	[tilespmem:s31], [sflag:$0x1] =	stream.indirect_vreg.gather [hbm4b:s9+s3], $0x80, v3, vm0, $0xb8;
	[tilespmem:$0x18100] =	vst v63  }
0x46: {  	s12 =	simm.s32 $0x7100  }
0x47: {  	[tilespmem:s12], [sflag:$0x1] =	stream.indirect_vreg.gather [hbm4b:s10+s3], $0x80, v3, vm0, $0xb8;
	[tilespmem:$0x18100] =	vst v63  }
0x48: {  	s14 =	simm.s32 $0x7900  }
0x49: {  	[tilespmem:s14], [sflag:$0x1] =	stream.indirect_vreg.gather [hbm4b:s11+s3], $0x80, v3, vm0, $0xb8;
	[tilespmem:$0x18100] =	vst v63  }
0x4a: {  	v3 =	vld [tilespmem:$0x10];
	_ =	sdelay $0x4  }
0x4b: {  	v49 =	vshll.u32 v3, $0x4  }
0x4c: {  	v3 =	vand.u32 $0x7, v3;
	v4 =	vand.u32 $0xFFFFFF80, v49  }
0x4d: {  	v3 =	vor.u32 v3, v4  }
0x4e: {  	v4 =	vperm.xlane v3, v0;
	_ =	sdelay $0x1  }
0x4f: {  	v4 =	vadd.s32 v1, v4;
	_ =	sdelay $0x3  }
0x50: {  	s14 =	simm.s32 $0x8100  }
0x51: {  	[tilespmem:s14], [sflag:$0x2] =	stream.indirect_vreg.gather [hbm4b:s2+s3], $0x80, v4, vm0, $0xb8;
	[tilespmem:$0x18100] =	vst v63  }
0x52: {  	s19 =	simm.s32 $0x8900  }
0x53: {  	[tilespmem:s19], [sflag:$0x2] =	stream.indirect_vreg.gather [hbm4b:s5+s3], $0x80, v4, vm0, $0xb8;
	[tilespmem:$0x18100] =	vst v63  }
0x54: {  	s12 =	simm.s32 $0x9100  }
0x55: {  	[tilespmem:s12], [sflag:$0x2] =	stream.indirect_vreg.gather [hbm4b:s6+s3], $0x80, v4, vm0, $0xb8;
	[tilespmem:$0x18100] =	vst v63  }
0x56: {  	s18 =	simm.s32 $0x9900  }
0x57: {  	[tilespmem:s18], [sflag:$0x2] =	stream.indirect_vreg.gather [hbm4b:s7+s3], $0x80, v4, vm0, $0xb8;
	[tilespmem:$0x18100] =	vst v63  }
0x58: {  	s19 =	simm.s32 $0xA100  }
0x59: {  	[tilespmem:s19], [sflag:$0x2] =	stream.indirect_vreg.gather [hbm4b:s8+s3], $0x80, v4, vm0, $0xb8;
	[tilespmem:$0x18100] =	vst v63  }
0x5a: {  	v3 =	vperm.xlane v3, v2;
	s12 =	simm.s32 $0xA900  }
0x5b: {  	[tilespmem:s12], [sflag:$0x2] =	stream.indirect_vreg.gather [hbm4b:s9+s3], $0x80, v4, vm0, $0xb8;
	[tilespmem:$0x18100] =	vst v63  }
0x5c: {  	v3 =	vadd.s32 v1, v3;
	s18 =	simm.s32 $0xB100  }
0x5d: {  	[tilespmem:s18], [sflag:$0x2] =	stream.indirect_vreg.gather [hbm4b:s10+s3], $0x80, v4, vm0, $0xb8;
	[tilespmem:$0x18100] =	vst v63  }
0x5e: {  	s19 =	simm.s32 $0xB900  }
0x5f: {  	[tilespmem:s19], [sflag:$0x2] =	stream.indirect_vreg.gather [hbm4b:s11+s3], $0x80, v4, vm0, $0xb8;
	[tilespmem:$0x18100] =	vst v63  }
0x60: {  	s18 =	simm.s32 $0xC100  }
0x61: {  	[tilespmem:s18], [sflag:$0x2] =	stream.indirect_vreg.gather [hbm4b:s2+s3], $0x80, v3, vm0, $0xb8;
	[tilespmem:$0x18100] =	vst v63  }
0x62: {  	s19 =	simm.s32 $0xC900  }
0x63: {  	[tilespmem:s19], [sflag:$0x2] =	stream.indirect_vreg.gather [hbm4b:s5+s3], $0x80, v3, vm0, $0xb8;
	[tilespmem:$0x18100] =	vst v63  }
0x64: {  	s18 =	simm.s32 $0xD100  }
0x65: {  	[tilespmem:s18], [sflag:$0x2] =	stream.indirect_vreg.gather [hbm4b:s6+s3], $0x80, v3, vm0, $0xb8;
	[tilespmem:$0x18100] =	vst v63  }
0x66: {  	s19 =	simm.s32 $0xD900  }
0x67: {  	[tilespmem:s19], [sflag:$0x2] =	stream.indirect_vreg.gather [hbm4b:s7+s3], $0x80, v3, vm0, $0xb8;
	[tilespmem:$0x18100] =	vst v63  }
0x68: {  	s18 =	simm.s32 $0xE100  }
0x69: {  	[tilespmem:s18], [sflag:$0x2] =	stream.indirect_vreg.gather [hbm4b:s8+s3], $0x80, v3, vm0, $0xb8;
	[tilespmem:$0x18100] =	vst v63  }
0x6a: {  	s19 =	simm.s32 $0xE900  }
0x6b: {  	[tilespmem:s19], [sflag:$0x2] =	stream.indirect_vreg.gather [hbm4b:s9+s3], $0x80, v3, vm0, $0xb8;
	[tilespmem:$0x18100] =	vst v63  }
0x6c: {  	s18 =	simm.s32 $0xF100  }
0x6d: {  	[tilespmem:s18], [sflag:$0x2] =	stream.indirect_vreg.gather [hbm4b:s10+s3], $0x80, v3, vm0, $0xb8;
	[tilespmem:$0x18100] =	vst v63  }
0x6e: {  	s19 =	simm.s32 $0xF900  }
0x6f: {  	[tilespmem:s19], [sflag:$0x2] =	stream.indirect_vreg.gather [hbm4b:s11+s3], $0x80, v3, vm0, $0xb8;
	[tilespmem:$0x18100] =	vst v63  }
0x70: {  	v3 =	vld [tilespmem:$0x20];
	_ =	sdelay $0x4  }
0x71: {  	v50 =	vshll.u32 v3, $0x4  }
0x72: {  	v3 =	vand.u32 $0x7, v3;
	v4 =	vand.u32 $0xFFFFFF80, v50  }
0x73: {  	v3 =	vor.u32 v3, v4  }
0x74: {  	v4 =	vperm.xlane v3, v0;
	_ =	sdelay $0x1  }
0x75: {  	v4 =	vadd.s32 v1, v4;
	_ =	sdelay $0x3  }
0x76: {  	s18 =	simm.s32 $0x10100  }
0x77: {  	[tilespmem:s18], [sflag:$0x3] =	stream.indirect_vreg.gather [hbm4b:s2+s3], $0x80, v4, vm0, $0xb8;
	[tilespmem:$0x18100] =	vst v63  }
0x78: {  	s19 =	simm.s32 $0x10900  }
0x79: {  	[tilespmem:s19], [sflag:$0x3] =	stream.indirect_vreg.gather [hbm4b:s5+s3], $0x80, v4, vm0, $0xb8;
	[tilespmem:$0x18100] =	vst v63  }
0x7a: {  	s19 =	simm.s32 $0x11100  }
0x7b: {  	[tilespmem:s19], [sflag:$0x3] =	stream.indirect_vreg.gather [hbm4b:s6+s3], $0x80, v4, vm0, $0xb8;
	[tilespmem:$0x18100] =	vst v63  }
0x7c: {  	s19 =	simm.s32 $0x11900  }
0x7d: {  	[tilespmem:s19], [sflag:$0x3] =	stream.indirect_vreg.gather [hbm4b:s7+s3], $0x80, v4, vm0, $0xb8;
	[tilespmem:$0x18100] =	vst v63  }
0x7e: {  	s19 =	simm.s32 $0x12100  }
0x7f: {  	[tilespmem:s19], [sflag:$0x3] =	stream.indirect_vreg.gather [hbm4b:s8+s3], $0x80, v4, vm0, $0xb8;
	[tilespmem:$0x18100] =	vst v63  }
0x80: {  	v3 =	vperm.xlane v3, v2;
	s19 =	simm.s32 $0x12900  }
0x81: {  	[tilespmem:s19], [sflag:$0x3] =	stream.indirect_vreg.gather [hbm4b:s9+s3], $0x80, v4, vm0, $0xb8;
	[tilespmem:$0x18100] =	vst v63  }
0x82: {  	v3 =	vadd.s32 v1, v3;
	s19 =	simm.s32 $0x13100  }
0x83: {  	[tilespmem:s19], [sflag:$0x3] =	stream.indirect_vreg.gather [hbm4b:s10+s3], $0x80, v4, vm0, $0xb8;
	[tilespmem:$0x18100] =	vst v63  }
0x84: {  	s19 =	simm.s32 $0x13900  }
0x85: {  	[tilespmem:s19], [sflag:$0x3] =	stream.indirect_vreg.gather [hbm4b:s11+s3], $0x80, v4, vm0, $0xb8;
	[tilespmem:$0x18100] =	vst v63  }
0x86: {  	s19 =	simm.s32 $0x14100  }
0x87: {  	[tilespmem:s19], [sflag:$0x3] =	stream.indirect_vreg.gather [hbm4b:s2+s3], $0x80, v3, vm0, $0xb8;
	[tilespmem:$0x18100] =	vst v63  }
0x88: {  	s19 =	simm.s32 $0x14900  }
0x89: {  	[tilespmem:s19], [sflag:$0x3] =	stream.indirect_vreg.gather [hbm4b:s5+s3], $0x80, v3, vm0, $0xb8;
	[tilespmem:$0x18100] =	vst v63  }
0x8a: {  	s19 =	simm.s32 $0x15100  }
0x8b: {  	[tilespmem:s19], [sflag:$0x3] =	stream.indirect_vreg.gather [hbm4b:s6+s3], $0x80, v3, vm0, $0xb8;
	[tilespmem:$0x18100] =	vst v63  }
0x8c: {  	s19 =	simm.s32 $0x15900  }
0x8d: {  	[tilespmem:s19], [sflag:$0x3] =	stream.indirect_vreg.gather [hbm4b:s7+s3], $0x80, v3, vm0, $0xb8;
	[tilespmem:$0x18100] =	vst v63  }
0x8e: {  	s19 =	simm.s32 $0x16100  }
0x8f: {  	[tilespmem:s19], [sflag:$0x3] =	stream.indirect_vreg.gather [hbm4b:s8+s3], $0x80, v3, vm0, $0xb8;
	[tilespmem:$0x18100] =	vst v63  }
0x90: {  	s19 =	simm.s32 $0x16900  }
0x91: {  	[tilespmem:s19], [sflag:$0x3] =	stream.indirect_vreg.gather [hbm4b:s9+s3], $0x80, v3, vm0, $0xb8;
	[tilespmem:$0x18100] =	vst v63  }
0x92: {  	s19 =	simm.s32 $0x17100  }
0x93: {  	[tilespmem:s19], [sflag:$0x3] =	stream.indirect_vreg.gather [hbm4b:s10+s3], $0x80, v3, vm0, $0xb8;
	[tilespmem:$0x18100] =	vst v63  }
0x94: {  	s19 =	simm.s32 $0x17900  }
0x95: {  	[tilespmem:s19], [sflag:$0x3] =	stream.indirect_vreg.gather [hbm4b:s11+s3], $0x80, v3, vm0, $0xb8;
	[tilespmem:$0x18100] =	vst v63  }
0x96: {  	_ =	swait.ge [sflag:s0], $0x8000  }
0x97: {  	[sflag:s0] =	ssyncset.done $0x0  }
0x98: {  	s19 =	rddreg [dreg:$0x16];
	[sflag:s0] =	ssyncadd.s32 $0xFFFF8000  }
0x99: {  	[hbm4b:s19+s3] =	stream.linear.scatter [tilespmem:s20], [sflag:$0x4], $0x8000, $0x38;
	[tilespmem:$0x18100] =	vst v63  }
0x9a: {  	_ =	swait.ge [sflag:s13], $0x8000  }
0x9b: {  	[sflag:s13] =	ssyncset.done $0x0  }
0x9c: {  	s19 =	simm.s32 $0x8100;
	s18 =	rddreg [dreg:$0x5];
	[sflag:s13] =	ssyncadd.s32 $0xFFFF8000  }
0x9d: {  	[hbm4b:s18+s3] =	stream.linear.scatter [tilespmem:s19], [sflag:$0x5], $0x8000, $0x38;
	[tilespmem:$0x18100] =	vst v63  }
0x9e: {  	_ =	swait.ge [sflag:s4], $0x8000  }
0x9f: {  	[sflag:s4] =	ssyncset.done $0x0  }
0xa0: {  	[sflag:s4] =	ssyncadd.s32 $0xFFFF8000  }
0xa1: {  	v3 =	vld [tilespmem:$0x30];
	_ =	sdelay $0x4  }
0xa2: {  	v51 =	vshll.u32 v3, $0x4  }
0xa3: {  	v3 =	vand.u32 $0x7, v3;
	v4 =	vand.u32 $0xFFFFFF80, v51  }
0xa4: {  	v3 =	vor.u32 v3, v4  }
0xa5: {  	v4 =	vperm.xlane v3, v0;
	_ =	sdelay $0x1  }
0xa6: {  	v4 =	vadd.s32 v1, v4;
	_ =	sdelay $0x4  }
0xa7: {  	[tilespmem:s20], [sflag:$0x1] =	stream.indirect_vreg.gather [hbm4b:s2+s3], $0x80, v4, vm0, $0xb8;
	[tilespmem:$0x18100] =	vst v63  }
0xa8: {  	s30 =	simm.s32 $0x900  }
0xa9: {  	[tilespmem:s30], [sflag:$0x1] =	stream.indirect_vreg.gather [hbm4b:s5+s3], $0x80, v4, vm0, $0xb8;
	[tilespmem:$0x18100] =	vst v63  }
0xaa: {  	s30 =	simm.s32 $0x1100  }
0xab: {  	[tilespmem:s30], [sflag:$0x1] =	stream.indirect_vreg.gather [hbm4b:s6+s3], $0x80, v4, vm0, $0xb8;
	[tilespmem:$0x18100] =	vst v63  }
0xac: {  	s30 =	simm.s32 $0x1900  }
0xad: {  	[tilespmem:s30], [sflag:$0x1] =	stream.indirect_vreg.gather [hbm4b:s7+s3], $0x80, v4, vm0, $0xb8;
	[tilespmem:$0x18100] =	vst v63  }
0xae: {  	s1 =	simm.s32 $0x2100  }
0xaf: {  	[tilespmem:s1], [sflag:$0x1] =	stream.indirect_vreg.gather [hbm4b:s8+s3], $0x80, v4, vm0, $0xb8;
	[tilespmem:$0x18100] =	vst v63  }
0xb0: {  	s22 =	simm.s32 $0x2900;
	v3 =	vperm.xlane v3, v2  }
0xb1: {  	[tilespmem:s22], [sflag:$0x1] =	stream.indirect_vreg.gather [hbm4b:s9+s3], $0x80, v4, vm0, $0xb8;
	[tilespmem:$0x18100] =	vst v63  }
0xb2: {  	s21 =	simm.s32 $0x3100;
	v3 =	vadd.s32 v1, v3  }
0xb3: {  	[tilespmem:s21], [sflag:$0x1] =	stream.indirect_vreg.gather [hbm4b:s10+s3], $0x80, v4, vm0, $0xb8;
	[tilespmem:$0x18100] =	vst v63  }
0xb4: {  	s23 =	simm.s32 $0x3900  }
0xb5: {  	[tilespmem:s23], [sflag:$0x1] =	stream.indirect_vreg.gather [hbm4b:s11+s3], $0x80, v4, vm0, $0xb8;
	[tilespmem:$0x18100] =	vst v63  }
0xb6: {  	s24 =	simm.s32 $0x4100  }
0xb7: {  	[tilespmem:s24], [sflag:$0x1] =	stream.indirect_vreg.gather [hbm4b:s2+s3], $0x80, v3, vm0, $0xb8;
	[tilespmem:$0x18100] =	vst v63  }
0xb8: {  	s25 =	simm.s32 $0x4900  }
0xb9: {  	[tilespmem:s25], [sflag:$0x1] =	stream.indirect_vreg.gather [hbm4b:s5+s3], $0x80, v3, vm0, $0xb8;
	[tilespmem:$0x18100] =	vst v63  }
0xba: {  	s26 =	simm.s32 $0x5100  }
0xbb: {  	[tilespmem:s26], [sflag:$0x1] =	stream.indirect_vreg.gather [hbm4b:s6+s3], $0x80, v3, vm0, $0xb8;
	[tilespmem:$0x18100] =	vst v63  }
0xbc: {  	s28 =	simm.s32 $0x5900  }
0xbd: {  	[tilespmem:s28], [sflag:$0x1] =	stream.indirect_vreg.gather [hbm4b:s7+s3], $0x80, v3, vm0, $0xb8;
	[tilespmem:$0x18100] =	vst v63  }
0xbe: {  	s29 =	simm.s32 $0x6100  }
0xbf: {  	[tilespmem:s29], [sflag:$0x1] =	stream.indirect_vreg.gather [hbm4b:s8+s3], $0x80, v3, vm0, $0xb8;
	[tilespmem:$0x18100] =	vst v63  }
0xc0: {  	s29 =	simm.s32 $0x6900  }
0xc1: {  	[tilespmem:s29], [sflag:$0x1] =	stream.indirect_vreg.gather [hbm4b:s9+s3], $0x80, v3, vm0, $0xb8;
	[tilespmem:$0x18100] =	vst v63  }
0xc2: {  	s30 =	simm.s32 $0x7100  }
0xc3: {  	[tilespmem:s30], [sflag:$0x1] =	stream.indirect_vreg.gather [hbm4b:s10+s3], $0x80, v3, vm0, $0xb8;
	[tilespmem:$0x18100] =	vst v63  }
0xc4: {  	s31 =	simm.s32 $0x7900  }
0xc5: {  	[tilespmem:s31], [sflag:$0x1] =	stream.indirect_vreg.gather [hbm4b:s11+s3], $0x80, v3, vm0, $0xb8;
	[tilespmem:$0x18100] =	vst v63  }
0xc6: {  	_ =	swait.ge [sflag:s15], $0x8000  }
0xc7: {  	[sflag:s15] =	ssyncset.done $0x0  }
0xc8: {  	s14 =	simm.s32 $0x10100;
	s1 =	rddreg [dreg:$0x6];
	[sflag:s15] =	ssyncadd.s32 $0xFFFF8000  }
0xc9: {  	[hbm4b:s1+s3] =	stream.linear.scatter [tilespmem:s14], [sflag:$0x6], $0x8000, $0x38;
	[tilespmem:$0x18100] =	vst v63  }
0xca: {  	_ =	swait.ge [sflag:s16], $0x8000  }
0xcb: {  	[sflag:s16] =	ssyncset.done $0x0  }
0xcc: {  	[sflag:s16] =	ssyncadd.s32 $0xFFFF8000  }
0xcd: {  	v3 =	vld [tilespmem:$0x40];
	_ =	sdelay $0x4  }
0xce: {  	v52 =	vshll.u32 v3, $0x4  }
0xcf: {  	v3 =	vand.u32 $0x7, v3;
	v4 =	vand.u32 $0xFFFFFF80, v52  }
0xd0: {  	v3 =	vor.u32 v3, v4  }
0xd1: {  	v4 =	vperm.xlane v3, v0;
	_ =	sdelay $0x1  }
0xd2: {  	v4 =	vadd.s32 v1, v4;
	_ =	sdelay $0x4  }
0xd3: {  	[tilespmem:s19], [sflag:$0x2] =	stream.indirect_vreg.gather [hbm4b:s2+s3], $0x80, v4, vm0, $0xb8;
	[tilespmem:$0x18100] =	vst v63  }
0xd4: {  	s21 =	simm.s32 $0x8900  }
0xd5: {  	[tilespmem:s21], [sflag:$0x2] =	stream.indirect_vreg.gather [hbm4b:s5+s3], $0x80, v4, vm0, $0xb8;
	[tilespmem:$0x18100] =	vst v63  }
0xd6: {  	s23 =	simm.s32 $0x9100  }
0xd7: {  	[tilespmem:s23], [sflag:$0x2] =	stream.indirect_vreg.gather [hbm4b:s6+s3], $0x80, v4, vm0, $0xb8;
	[tilespmem:$0x18100] =	vst v63  }
0xd8: {  	s24 =	simm.s32 $0x9900  }
0xd9: {  	[tilespmem:s24], [sflag:$0x2] =	stream.indirect_vreg.gather [hbm4b:s7+s3], $0x80, v4, vm0, $0xb8;
	[tilespmem:$0x18100] =	vst v63  }
0xda: {  	s19 =	simm.s32 $0xA100  }
0xdb: {  	[tilespmem:s19], [sflag:$0x2] =	stream.indirect_vreg.gather [hbm4b:s8+s3], $0x80, v4, vm0, $0xb8;
	[tilespmem:$0x18100] =	vst v63  }
0xdc: {  	s12 =	simm.s32 $0xA900;
	v3 =	vperm.xlane v3, v2  }
0xdd: {  	[tilespmem:s12], [sflag:$0x2] =	stream.indirect_vreg.gather [hbm4b:s9+s3], $0x80, v4, vm0, $0xb8;
	[tilespmem:$0x18100] =	vst v63  }
0xde: {  	s25 =	simm.s32 $0xB100;
	v3 =	vadd.s32 v1, v3  }
0xdf: {  	[tilespmem:s25], [sflag:$0x2] =	stream.indirect_vreg.gather [hbm4b:s10+s3], $0x80, v4, vm0, $0xb8;
	[tilespmem:$0x18100] =	vst v63  }
0xe0: {  	s26 =	simm.s32 $0xB900  }
0xe1: {  	[tilespmem:s26], [sflag:$0x2] =	stream.indirect_vreg.gather [hbm4b:s11+s3], $0x80, v4, vm0, $0xb8;
	[tilespmem:$0x18100] =	vst v63  }
0xe2: {  	s28 =	simm.s32 $0xC100  }
0xe3: {  	[tilespmem:s28], [sflag:$0x2] =	stream.indirect_vreg.gather [hbm4b:s2+s3], $0x80, v3, vm0, $0xb8;
	[tilespmem:$0x18100] =	vst v63  }
0xe4: {  	s29 =	simm.s32 $0xC900  }
0xe5: {  	[tilespmem:s29], [sflag:$0x2] =	stream.indirect_vreg.gather [hbm4b:s5+s3], $0x80, v3, vm0, $0xb8;
	[tilespmem:$0x18100] =	vst v63  }
0xe6: {  	s30 =	simm.s32 $0xD100  }
0xe7: {  	[tilespmem:s30], [sflag:$0x2] =	stream.indirect_vreg.gather [hbm4b:s6+s3], $0x80, v3, vm0, $0xb8;
	[tilespmem:$0x18100] =	vst v63  }
0xe8: {  	s31 =	simm.s32 $0xD900  }
0xe9: {  	[tilespmem:s31], [sflag:$0x2] =	stream.indirect_vreg.gather [hbm4b:s7+s3], $0x80, v3, vm0, $0xb8;
	[tilespmem:$0x18100] =	vst v63  }
0xea: {  	s22 =	simm.s32 $0xE100  }
0xeb: {  	[tilespmem:s22], [sflag:$0x2] =	stream.indirect_vreg.gather [hbm4b:s8+s3], $0x80, v3, vm0, $0xb8;
	[tilespmem:$0x18100] =	vst v63  }
0xec: {  	s18 =	simm.s32 $0xE900  }
0xed: {  	[tilespmem:s18], [sflag:$0x2] =	stream.indirect_vreg.gather [hbm4b:s9+s3], $0x80, v3, vm0, $0xb8;
	[tilespmem:$0x18100] =	vst v63  }
0xee: {  	s18 =	simm.s32 $0xF100  }
0xef: {  	[tilespmem:s18], [sflag:$0x2] =	stream.indirect_vreg.gather [hbm4b:s10+s3], $0x80, v3, vm0, $0xb8;
	[tilespmem:$0x18100] =	vst v63  }
0xf0: {  	s18 =	simm.s32 $0xF900  }
0xf1: {  	[tilespmem:s18], [sflag:$0x2] =	stream.indirect_vreg.gather [hbm4b:s11+s3], $0x80, v3, vm0, $0xb8;
	[tilespmem:$0x18100] =	vst v63  }
0xf2: {  	_ =	swait.ge [sflag:s0], $0x8000  }
0xf3: {  	[sflag:s0] =	ssyncset.done $0x0  }
0xf4: {  	s12 =	rddreg [dreg:$0x7];
	[sflag:s0] =	ssyncadd.s32 $0xFFFF8000  }
0xf5: {  	[hbm4b:s12+s3] =	stream.linear.scatter [tilespmem:s20], [sflag:$0x4], $0x8000, $0x38;
	[tilespmem:$0x18100] =	vst v63  }
0xf6: {  	_ =	swait.ge [sflag:s17], $0x8000  }
0xf7: {  	[sflag:s17] =	ssyncset.done $0x0  }
0xf8: {  	[sflag:s17] =	ssyncadd.s32 $0xFFFF8000  }
0xf9: {  	v3 =	vld [tilespmem:$0x50];
	_ =	sdelay $0x4  }
0xfa: {  	v53 =	vshll.u32 v3, $0x4  }
0xfb: {  	v3 =	vand.u32 $0x7, v3;
	v4 =	vand.u32 $0xFFFFFF80, v53  }
0xfc: {  	v3 =	vor.u32 v3, v4  }
0xfd: {  	v4 =	vperm.xlane v3, v0;
	_ =	sdelay $0x1  }
0xfe: {  	v4 =	vadd.s32 v1, v4;
	_ =	sdelay $0x3  }
0xff: {  	s1 =	simm.s32 $0x10100  }
0x100: {  	[tilespmem:s1], [sflag:$0x3] =	stream.indirect_vreg.gather [hbm4b:s2+s3], $0x80, v4, vm0, $0xb8;
	[tilespmem:$0x18100] =	vst v63  }
0x101: {  	s18 =	simm.s32 $0x10900  }
0x102: {  	[tilespmem:s18], [sflag:$0x3] =	stream.indirect_vreg.gather [hbm4b:s5+s3], $0x80, v4, vm0, $0xb8;
	[tilespmem:$0x18100] =	vst v63  }
0x103: {  	s18 =	simm.s32 $0x11100  }
0x104: {  	[tilespmem:s18], [sflag:$0x3] =	stream.indirect_vreg.gather [hbm4b:s6+s3], $0x80, v4, vm0, $0xb8;
	[tilespmem:$0x18100] =	vst v63  }
0x105: {  	s18 =	simm.s32 $0x11900  }
0x106: {  	[tilespmem:s18], [sflag:$0x3] =	stream.indirect_vreg.gather [hbm4b:s7+s3], $0x80, v4, vm0, $0xb8;
	[tilespmem:$0x18100] =	vst v63  }
0x107: {  	s18 =	simm.s32 $0x12100  }
0x108: {  	[tilespmem:s18], [sflag:$0x3] =	stream.indirect_vreg.gather [hbm4b:s8+s3], $0x80, v4, vm0, $0xb8;
	[tilespmem:$0x18100] =	vst v63  }
0x109: {  	v3 =	vperm.xlane v3, v2;
	s18 =	simm.s32 $0x12900  }
0x10a: {  	[tilespmem:s18], [sflag:$0x3] =	stream.indirect_vreg.gather [hbm4b:s9+s3], $0x80, v4, vm0, $0xb8;
	[tilespmem:$0x18100] =	vst v63  }
0x10b: {  	v3 =	vadd.s32 v1, v3;
	s18 =	simm.s32 $0x13100  }
0x10c: {  	[tilespmem:s18], [sflag:$0x3] =	stream.indirect_vreg.gather [hbm4b:s10+s3], $0x80, v4, vm0, $0xb8;
	[tilespmem:$0x18100] =	vst v63  }
0x10d: {  	s18 =	simm.s32 $0x13900  }
0x10e: {  	[tilespmem:s18], [sflag:$0x3] =	stream.indirect_vreg.gather [hbm4b:s11+s3], $0x80, v4, vm0, $0xb8;
	[tilespmem:$0x18100] =	vst v63  }
0x10f: {  	s18 =	simm.s32 $0x14100  }
0x110: {  	[tilespmem:s18], [sflag:$0x3] =	stream.indirect_vreg.gather [hbm4b:s2+s3], $0x80, v3, vm0, $0xb8;
	[tilespmem:$0x18100] =	vst v63  }
0x111: {  	s18 =	simm.s32 $0x14900  }
0x112: {  	[tilespmem:s18], [sflag:$0x3] =	stream.indirect_vreg.gather [hbm4b:s5+s3], $0x80, v3, vm0, $0xb8;
	[tilespmem:$0x18100] =	vst v63  }
0x113: {  	s18 =	simm.s32 $0x15100  }
0x114: {  	[tilespmem:s18], [sflag:$0x3] =	stream.indirect_vreg.gather [hbm4b:s6+s3], $0x80, v3, vm0, $0xb8;
	[tilespmem:$0x18100] =	vst v63  }
0x115: {  	s18 =	simm.s32 $0x15900  }
0x116: {  	[tilespmem:s18], [sflag:$0x3] =	stream.indirect_vreg.gather [hbm4b:s7+s3], $0x80, v3, vm0, $0xb8;
	[tilespmem:$0x18100] =	vst v63  }
0x117: {  	s18 =	simm.s32 $0x16100  }
0x118: {  	[tilespmem:s18], [sflag:$0x3] =	stream.indirect_vreg.gather [hbm4b:s8+s3], $0x80, v3, vm0, $0xb8;
	[tilespmem:$0x18100] =	vst v63  }
0x119: {  	s18 =	simm.s32 $0x16900  }
0x11a: {  	[tilespmem:s18], [sflag:$0x3] =	stream.indirect_vreg.gather [hbm4b:s9+s3], $0x80, v3, vm0, $0xb8;
	[tilespmem:$0x18100] =	vst v63  }
0x11b: {  	s18 =	simm.s32 $0x17100  }
0x11c: {  	[tilespmem:s18], [sflag:$0x3] =	stream.indirect_vreg.gather [hbm4b:s10+s3], $0x80, v3, vm0, $0xb8;
	[tilespmem:$0x18100] =	vst v63  }
0x11d: {  	s18 =	simm.s32 $0x17900  }
0x11e: {  	[tilespmem:s18], [sflag:$0x3] =	stream.indirect_vreg.gather [hbm4b:s11+s3], $0x80, v3, vm0, $0xb8;
	[tilespmem:$0x18100] =	vst v63  }
0x11f: {  	_ =	swait.ge [sflag:s13], $0x8000  }
0x120: {  	[sflag:s13] =	ssyncset.done $0x0  }
0x121: {  	s14 =	simm.s32 $0x8100;
	s1 =	rddreg [dreg:$0x8];
	[sflag:s13] =	ssyncadd.s32 $0xFFFF8000  }
0x122: {  	[hbm4b:s1+s3] =	stream.linear.scatter [tilespmem:s14], [sflag:$0x5], $0x8000, $0x38;
	[tilespmem:$0x18100] =	vst v63  }
0x123: {  	_ =	swait.ge [sflag:s4], $0x8000  }
0x124: {  	[sflag:s4] =	ssyncset.done $0x0  }
0x125: {  	[sflag:s4] =	ssyncadd.s32 $0xFFFF8000  }
0x126: {  	v3 =	vld [tilespmem:$0x60];
	_ =	sdelay $0x4  }
0x127: {  	v54 =	vshll.u32 v3, $0x4  }
0x128: {  	v3 =	vand.u32 $0x7, v3;
	v4 =	vand.u32 $0xFFFFFF80, v54  }
0x129: {  	v3 =	vor.u32 v3, v4  }
0x12a: {  	v4 =	vperm.xlane v3, v0;
	_ =	sdelay $0x1  }
0x12b: {  	v4 =	vadd.s32 v1, v4;
	_ =	sdelay $0x4  }
0x12c: {  	[tilespmem:s20], [sflag:$0x1] =	stream.indirect_vreg.gather [hbm4b:s2+s3], $0x80, v4, vm0, $0xb8;
	[tilespmem:$0x18100] =	vst v63  }
0x12d: {  	s18 =	simm.s32 $0x900  }
0x12e: {  	[tilespmem:s18], [sflag:$0x1] =	stream.indirect_vreg.gather [hbm4b:s5+s3], $0x80, v4, vm0, $0xb8;
	[tilespmem:$0x18100] =	vst v63  }
0x12f: {  	s18 =	simm.s32 $0x1100  }
0x130: {  	[tilespmem:s18], [sflag:$0x1] =	stream.indirect_vreg.gather [hbm4b:s6+s3], $0x80, v4, vm0, $0xb8;
	[tilespmem:$0x18100] =	vst v63  }
0x131: {  	s18 =	simm.s32 $0x1900  }
0x132: {  	[tilespmem:s18], [sflag:$0x1] =	stream.indirect_vreg.gather [hbm4b:s7+s3], $0x80, v4, vm0, $0xb8;
	[tilespmem:$0x18100] =	vst v63  }
0x133: {  	s18 =	simm.s32 $0x2100  }
0x134: {  	[tilespmem:s18], [sflag:$0x1] =	stream.indirect_vreg.gather [hbm4b:s8+s3], $0x80, v4, vm0, $0xb8;
	[tilespmem:$0x18100] =	vst v63  }
0x135: {  	v3 =	vperm.xlane v3, v2;
	s18 =	simm.s32 $0x2900  }
0x136: {  	[tilespmem:s18], [sflag:$0x1] =	stream.indirect_vreg.gather [hbm4b:s9+s3], $0x80, v4, vm0, $0xb8;
	[tilespmem:$0x18100] =	vst v63  }
0x137: {  	v3 =	vadd.s32 v1, v3;
	s18 =	simm.s32 $0x3100  }
0x138: {  	[tilespmem:s18], [sflag:$0x1] =	stream.indirect_vreg.gather [hbm4b:s10+s3], $0x80, v4, vm0, $0xb8;
	[tilespmem:$0x18100] =	vst v63  }
0x139: {  	s18 =	simm.s32 $0x3900  }
0x13a: {  	[tilespmem:s18], [sflag:$0x1] =	stream.indirect_vreg.gather [hbm4b:s11+s3], $0x80, v4, vm0, $0xb8;
	[tilespmem:$0x18100] =	vst v63  }
0x13b: {  	s18 =	simm.s32 $0x4100  }
0x13c: {  	[tilespmem:s18], [sflag:$0x1] =	stream.indirect_vreg.gather [hbm4b:s2+s3], $0x80, v3, vm0, $0xb8;
	[tilespmem:$0x18100] =	vst v63  }
0x13d: {  	s18 =	simm.s32 $0x4900  }
0x13e: {  	[tilespmem:s18], [sflag:$0x1] =	stream.indirect_vreg.gather [hbm4b:s5+s3], $0x80, v3, vm0, $0xb8;
	[tilespmem:$0x18100] =	vst v63  }
0x13f: {  	s18 =	simm.s32 $0x5100  }
0x140: {  	[tilespmem:s18], [sflag:$0x1] =	stream.indirect_vreg.gather [hbm4b:s6+s3], $0x80, v3, vm0, $0xb8;
	[tilespmem:$0x18100] =	vst v63  }
0x141: {  	s18 =	simm.s32 $0x5900  }
0x142: {  	[tilespmem:s18], [sflag:$0x1] =	stream.indirect_vreg.gather [hbm4b:s7+s3], $0x80, v3, vm0, $0xb8;
	[tilespmem:$0x18100] =	vst v63  }
0x143: {  	s18 =	simm.s32 $0x6100  }
0x144: {  	[tilespmem:s18], [sflag:$0x1] =	stream.indirect_vreg.gather [hbm4b:s8+s3], $0x80, v3, vm0, $0xb8;
	[tilespmem:$0x18100] =	vst v63  }
0x145: {  	s18 =	simm.s32 $0x6900  }
0x146: {  	[tilespmem:s18], [sflag:$0x1] =	stream.indirect_vreg.gather [hbm4b:s9+s3], $0x80, v3, vm0, $0xb8;
	[tilespmem:$0x18100] =	vst v63  }
0x147: {  	s18 =	simm.s32 $0x7100  }
0x148: {  	[tilespmem:s18], [sflag:$0x1] =	stream.indirect_vreg.gather [hbm4b:s10+s3], $0x80, v3, vm0, $0xb8;
	[tilespmem:$0x18100] =	vst v63  }
0x149: {  	s18 =	simm.s32 $0x7900  }
0x14a: {  	[tilespmem:s18], [sflag:$0x1] =	stream.indirect_vreg.gather [hbm4b:s11+s3], $0x80, v3, vm0, $0xb8;
	[tilespmem:$0x18100] =	vst v63  }
0x14b: {  	_ =	swait.ge [sflag:s15], $0x8000  }
0x14c: {  	[sflag:s15] =	ssyncset.done $0x0  }
0x14d: {  	s12 =	simm.s32 $0x10100;
	s14 =	rddreg [dreg:$0x9];
	[sflag:s15] =	ssyncadd.s32 $0xFFFF8000  }
0x14e: {  	[hbm4b:s14+s3] =	stream.linear.scatter [tilespmem:s12], [sflag:$0x6], $0x8000, $0x38;
	[tilespmem:$0x18100] =	vst v63  }
0x14f: {  	_ =	swait.ge [sflag:s16], $0x8000  }
0x150: {  	[sflag:s16] =	ssyncset.done $0x0  }
0x151: {  	[sflag:s16] =	ssyncadd.s32 $0xFFFF8000  }
0x152: {  	v3 =	vld [tilespmem:$0x70];
	_ =	sdelay $0x4  }
0x153: {  	v55 =	vshll.u32 v3, $0x4  }
0x154: {  	v3 =	vand.u32 $0x7, v3;
	v4 =	vand.u32 $0xFFFFFF80, v55  }
0x155: {  	v3 =	vor.u32 v3, v4  }
0x156: {  	v4 =	vperm.xlane v3, v0;
	_ =	sdelay $0x1  }
0x157: {  	v4 =	vadd.s32 v1, v4;
	_ =	sdelay $0x3  }
0x158: {  	s1 =	simm.s32 $0x8100  }
0x159: {  	[tilespmem:s1], [sflag:$0x2] =	stream.indirect_vreg.gather [hbm4b:s2+s3], $0x80, v4, vm0, $0xb8;
	[tilespmem:$0x18100] =	vst v63  }
0x15a: {  	_ = 	snop  }
0x15b: {  	[tilespmem:s21], [sflag:$0x2] =	stream.indirect_vreg.gather [hbm4b:s5+s3], $0x80, v4, vm0, $0xb8;
	[tilespmem:$0x18100] =	vst v63  }
0x15c: {  	_ = 	snop  }
0x15d: {  	[tilespmem:s23], [sflag:$0x2] =	stream.indirect_vreg.gather [hbm4b:s6+s3], $0x80, v4, vm0, $0xb8;
	[tilespmem:$0x18100] =	vst v63  }
0x15e: {  	_ = 	snop  }
0x15f: {  	[tilespmem:s24], [sflag:$0x2] =	stream.indirect_vreg.gather [hbm4b:s7+s3], $0x80, v4, vm0, $0xb8;
	[tilespmem:$0x18100] =	vst v63  }
0x160: {  	_ = 	snop  }
0x161: {  	[tilespmem:s19], [sflag:$0x2] =	stream.indirect_vreg.gather [hbm4b:s8+s3], $0x80, v4, vm0, $0xb8;
	[tilespmem:$0x18100] =	vst v63  }
0x162: {  	v3 =	vperm.xlane v3, v2;
	s21 =	simm.s32 $0xA900  }
0x163: {  	[tilespmem:s21], [sflag:$0x2] =	stream.indirect_vreg.gather [hbm4b:s9+s3], $0x80, v4, vm0, $0xb8;
	[tilespmem:$0x18100] =	vst v63  }
0x164: {  	v3 =	vadd.s32 v1, v3  }
0x165: {  	[tilespmem:s25], [sflag:$0x2] =	stream.indirect_vreg.gather [hbm4b:s10+s3], $0x80, v4, vm0, $0xb8;
	[tilespmem:$0x18100] =	vst v63  }
0x166: {  	_ = 	snop  }
0x167: {  	[tilespmem:s26], [sflag:$0x2] =	stream.indirect_vreg.gather [hbm4b:s11+s3], $0x80, v4, vm0, $0xb8;
	[tilespmem:$0x18100] =	vst v63  }
0x168: {  	_ = 	snop  }
0x169: {  	[tilespmem:s28], [sflag:$0x2] =	stream.indirect_vreg.gather [hbm4b:s2+s3], $0x80, v3, vm0, $0xb8;
	[tilespmem:$0x18100] =	vst v63  }
0x16a: {  	_ = 	snop  }
0x16b: {  	[tilespmem:s29], [sflag:$0x2] =	stream.indirect_vreg.gather [hbm4b:s5+s3], $0x80, v3, vm0, $0xb8;
	[tilespmem:$0x18100] =	vst v63  }
0x16c: {  	_ = 	snop  }
0x16d: {  	[tilespmem:s30], [sflag:$0x2] =	stream.indirect_vreg.gather [hbm4b:s6+s3], $0x80, v3, vm0, $0xb8;
	[tilespmem:$0x18100] =	vst v63  }
0x16e: {  	_ = 	snop  }
0x16f: {  	[tilespmem:s31], [sflag:$0x2] =	stream.indirect_vreg.gather [hbm4b:s7+s3], $0x80, v3, vm0, $0xb8;
	[tilespmem:$0x18100] =	vst v63  }
0x170: {  	_ = 	snop  }
0x171: {  	[tilespmem:s22], [sflag:$0x2] =	stream.indirect_vreg.gather [hbm4b:s8+s3], $0x80, v3, vm0, $0xb8;
	[tilespmem:$0x18100] =	vst v63  }
0x172: {  	s22 =	simm.s32 $0xE900  }
0x173: {  	[tilespmem:s22], [sflag:$0x2] =	stream.indirect_vreg.gather [hbm4b:s9+s3], $0x80, v3, vm0, $0xb8;
	[tilespmem:$0x18100] =	vst v63  }
0x174: {  	s21 =	simm.s32 $0xF100  }
0x175: {  	[tilespmem:s21], [sflag:$0x2] =	stream.indirect_vreg.gather [hbm4b:s10+s3], $0x80, v3, vm0, $0xb8;
	[tilespmem:$0x18100] =	vst v63  }
0x176: {  	s22 =	simm.s32 $0xF900  }
0x177: {  	[tilespmem:s22], [sflag:$0x2] =	stream.indirect_vreg.gather [hbm4b:s11+s3], $0x80, v3, vm0, $0xb8;
	[tilespmem:$0x18100] =	vst v63  }
0x178: {  	_ =	swait.ge [sflag:s0], $0x8000  }
0x179: {  	[sflag:s0] =	ssyncset.done $0x0  }
0x17a: {  	s22 =	rddreg [dreg:$0xa];
	[sflag:s0] =	ssyncadd.s32 $0xFFFF8000  }
0x17b: {  	[hbm4b:s22+s3] =	stream.linear.scatter [tilespmem:s20], [sflag:$0x4], $0x8000, $0x38;
	[tilespmem:$0x18100] =	vst v63  }
0x17c: {  	_ =	swait.ge [sflag:s17], $0x8000  }
0x17d: {  	[sflag:s17] =	ssyncset.done $0x0  }
0x17e: {  	[sflag:s17] =	ssyncadd.s32 $0xFFFF8000  }
0x17f: {  	v3 =	vld [tilespmem:$0x80];
	_ =	sdelay $0x4  }
0x180: {  	v56 =	vshll.u32 v3, $0x4  }
0x181: {  	v3 =	vand.u32 $0x7, v3;
	v4 =	vand.u32 $0xFFFFFF80, v56  }
0x182: {  	v3 =	vor.u32 v3, v4  }
0x183: {  	v4 =	vperm.xlane v3, v0;
	_ =	sdelay $0x1  }
0x184: {  	v4 =	vadd.s32 v1, v4;
	_ =	sdelay $0x3  }
0x185: {  	s12 =	simm.s32 $0x10100  }
0x186: {  	[tilespmem:s12], [sflag:$0x3] =	stream.indirect_vreg.gather [hbm4b:s2+s3], $0x80, v4, vm0, $0xb8;
	[tilespmem:$0x18100] =	vst v63  }
0x187: {  	s22 =	simm.s32 $0x10900  }
0x188: {  	[tilespmem:s22], [sflag:$0x3] =	stream.indirect_vreg.gather [hbm4b:s5+s3], $0x80, v4, vm0, $0xb8;
	[tilespmem:$0x18100] =	vst v63  }
0x189: {  	s22 =	simm.s32 $0x11100  }
0x18a: {  	[tilespmem:s22], [sflag:$0x3] =	stream.indirect_vreg.gather [hbm4b:s6+s3], $0x80, v4, vm0, $0xb8;
	[tilespmem:$0x18100] =	vst v63  }
0x18b: {  	s22 =	simm.s32 $0x11900  }
0x18c: {  	[tilespmem:s22], [sflag:$0x3] =	stream.indirect_vreg.gather [hbm4b:s7+s3], $0x80, v4, vm0, $0xb8;
	[tilespmem:$0x18100] =	vst v63  }
0x18d: {  	s22 =	simm.s32 $0x12100  }
0x18e: {  	[tilespmem:s22], [sflag:$0x3] =	stream.indirect_vreg.gather [hbm4b:s8+s3], $0x80, v4, vm0, $0xb8;
	[tilespmem:$0x18100] =	vst v63  }
0x18f: {  	v3 =	vperm.xlane v3, v2;
	s22 =	simm.s32 $0x12900  }
0x190: {  	[tilespmem:s22], [sflag:$0x3] =	stream.indirect_vreg.gather [hbm4b:s9+s3], $0x80, v4, vm0, $0xb8;
	[tilespmem:$0x18100] =	vst v63  }
0x191: {  	v3 =	vadd.s32 v1, v3;
	s22 =	simm.s32 $0x13100  }
0x192: {  	[tilespmem:s22], [sflag:$0x3] =	stream.indirect_vreg.gather [hbm4b:s10+s3], $0x80, v4, vm0, $0xb8;
	[tilespmem:$0x18100] =	vst v63  }
0x193: {  	s22 =	simm.s32 $0x13900  }
0x194: {  	[tilespmem:s22], [sflag:$0x3] =	stream.indirect_vreg.gather [hbm4b:s11+s3], $0x80, v4, vm0, $0xb8;
	[tilespmem:$0x18100] =	vst v63  }
0x195: {  	s22 =	simm.s32 $0x14100  }
0x196: {  	[tilespmem:s22], [sflag:$0x3] =	stream.indirect_vreg.gather [hbm4b:s2+s3], $0x80, v3, vm0, $0xb8;
	[tilespmem:$0x18100] =	vst v63  }
0x197: {  	s22 =	simm.s32 $0x14900  }
0x198: {  	[tilespmem:s22], [sflag:$0x3] =	stream.indirect_vreg.gather [hbm4b:s5+s3], $0x80, v3, vm0, $0xb8;
	[tilespmem:$0x18100] =	vst v63  }
0x199: {  	s22 =	simm.s32 $0x15100  }
0x19a: {  	[tilespmem:s22], [sflag:$0x3] =	stream.indirect_vreg.gather [hbm4b:s6+s3], $0x80, v3, vm0, $0xb8;
	[tilespmem:$0x18100] =	vst v63  }
0x19b: {  	s22 =	simm.s32 $0x15900  }
0x19c: {  	[tilespmem:s22], [sflag:$0x3] =	stream.indirect_vreg.gather [hbm4b:s7+s3], $0x80, v3, vm0, $0xb8;
	[tilespmem:$0x18100] =	vst v63  }
0x19d: {  	s22 =	simm.s32 $0x16100  }
0x19e: {  	[tilespmem:s22], [sflag:$0x3] =	stream.indirect_vreg.gather [hbm4b:s8+s3], $0x80, v3, vm0, $0xb8;
	[tilespmem:$0x18100] =	vst v63  }
0x19f: {  	s22 =	simm.s32 $0x16900  }
0x1a0: {  	[tilespmem:s22], [sflag:$0x3] =	stream.indirect_vreg.gather [hbm4b:s9+s3], $0x80, v3, vm0, $0xb8;
	[tilespmem:$0x18100] =	vst v63  }
0x1a1: {  	s22 =	simm.s32 $0x17100  }
0x1a2: {  	[tilespmem:s22], [sflag:$0x3] =	stream.indirect_vreg.gather [hbm4b:s10+s3], $0x80, v3, vm0, $0xb8;
	[tilespmem:$0x18100] =	vst v63  }
0x1a3: {  	s22 =	simm.s32 $0x17900  }
0x1a4: {  	[tilespmem:s22], [sflag:$0x3] =	stream.indirect_vreg.gather [hbm4b:s11+s3], $0x80, v3, vm0, $0xb8;
	[tilespmem:$0x18100] =	vst v63  }
0x1a5: {  	_ =	swait.ge [sflag:s13], $0x8000  }
0x1a6: {  	[sflag:s13] =	ssyncset.done $0x0  }
0x1a7: {  	s1 =	simm.s32 $0x8100;
	s22 =	rddreg [dreg:$0xb];
	[sflag:s13] =	ssyncadd.s32 $0xFFFF8000  }
0x1a8: {  	[hbm4b:s22+s3] =	stream.linear.scatter [tilespmem:s1], [sflag:$0x5], $0x8000, $0x38;
	[tilespmem:$0x18100] =	vst v63  }
0x1a9: {  	_ =	swait.ge [sflag:s4], $0x8000  }
0x1aa: {  	[sflag:s4] =	ssyncset.done $0x0  }
0x1ab: {  	[sflag:s4] =	ssyncadd.s32 $0xFFFF8000  }
0x1ac: {  	v3 =	vld [tilespmem:$0x90];
	_ =	sdelay $0x4  }
0x1ad: {  	v57 =	vshll.u32 v3, $0x4  }
0x1ae: {  	v3 =	vand.u32 $0x7, v3;
	v4 =	vand.u32 $0xFFFFFF80, v57  }
0x1af: {  	v3 =	vor.u32 v3, v4  }
0x1b0: {  	v4 =	vperm.xlane v3, v0;
	_ =	sdelay $0x1  }
0x1b1: {  	v4 =	vadd.s32 v1, v4;
	_ =	sdelay $0x4  }
0x1b2: {  	[tilespmem:s20], [sflag:$0x1] =	stream.indirect_vreg.gather [hbm4b:s2+s3], $0x80, v4, vm0, $0xb8;
	[tilespmem:$0x18100] =	vst v63  }
0x1b3: {  	s22 =	simm.s32 $0x900  }
0x1b4: {  	[tilespmem:s22], [sflag:$0x1] =	stream.indirect_vreg.gather [hbm4b:s5+s3], $0x80, v4, vm0, $0xb8;
	[tilespmem:$0x18100] =	vst v63  }
0x1b5: {  	s22 =	simm.s32 $0x1100  }
0x1b6: {  	[tilespmem:s22], [sflag:$0x1] =	stream.indirect_vreg.gather [hbm4b:s6+s3], $0x80, v4, vm0, $0xb8;
	[tilespmem:$0x18100] =	vst v63  }
0x1b7: {  	s22 =	simm.s32 $0x1900  }
0x1b8: {  	[tilespmem:s22], [sflag:$0x1] =	stream.indirect_vreg.gather [hbm4b:s7+s3], $0x80, v4, vm0, $0xb8;
	[tilespmem:$0x18100] =	vst v63  }
0x1b9: {  	s22 =	simm.s32 $0x2100  }
0x1ba: {  	[tilespmem:s22], [sflag:$0x1] =	stream.indirect_vreg.gather [hbm4b:s8+s3], $0x80, v4, vm0, $0xb8;
	[tilespmem:$0x18100] =	vst v63  }
0x1bb: {  	v3 =	vperm.xlane v3, v2;
	s22 =	simm.s32 $0x2900  }
0x1bc: {  	[tilespmem:s22], [sflag:$0x1] =	stream.indirect_vreg.gather [hbm4b:s9+s3], $0x80, v4, vm0, $0xb8;
	[tilespmem:$0x18100] =	vst v63  }
0x1bd: {  	v3 =	vadd.s32 v1, v3;
	s22 =	simm.s32 $0x3100  }
0x1be: {  	[tilespmem:s22], [sflag:$0x1] =	stream.indirect_vreg.gather [hbm4b:s10+s3], $0x80, v4, vm0, $0xb8;
	[tilespmem:$0x18100] =	vst v63  }
0x1bf: {  	s22 =	simm.s32 $0x3900  }
0x1c0: {  	[tilespmem:s22], [sflag:$0x1] =	stream.indirect_vreg.gather [hbm4b:s11+s3], $0x80, v4, vm0, $0xb8;
	[tilespmem:$0x18100] =	vst v63  }
0x1c1: {  	s22 =	simm.s32 $0x4100  }
0x1c2: {  	[tilespmem:s22], [sflag:$0x1] =	stream.indirect_vreg.gather [hbm4b:s2+s3], $0x80, v3, vm0, $0xb8;
	[tilespmem:$0x18100] =	vst v63  }
0x1c3: {  	s22 =	simm.s32 $0x4900  }
0x1c4: {  	[tilespmem:s22], [sflag:$0x1] =	stream.indirect_vreg.gather [hbm4b:s5+s3], $0x80, v3, vm0, $0xb8;
	[tilespmem:$0x18100] =	vst v63  }
0x1c5: {  	s22 =	simm.s32 $0x5100  }
0x1c6: {  	[tilespmem:s22], [sflag:$0x1] =	stream.indirect_vreg.gather [hbm4b:s6+s3], $0x80, v3, vm0, $0xb8;
	[tilespmem:$0x18100] =	vst v63  }
0x1c7: {  	s22 =	simm.s32 $0x5900  }
0x1c8: {  	[tilespmem:s22], [sflag:$0x1] =	stream.indirect_vreg.gather [hbm4b:s7+s3], $0x80, v3, vm0, $0xb8;
	[tilespmem:$0x18100] =	vst v63  }
0x1c9: {  	s22 =	simm.s32 $0x6100  }
0x1ca: {  	[tilespmem:s22], [sflag:$0x1] =	stream.indirect_vreg.gather [hbm4b:s8+s3], $0x80, v3, vm0, $0xb8;
	[tilespmem:$0x18100] =	vst v63  }
0x1cb: {  	s22 =	simm.s32 $0x6900  }
0x1cc: {  	[tilespmem:s22], [sflag:$0x1] =	stream.indirect_vreg.gather [hbm4b:s9+s3], $0x80, v3, vm0, $0xb8;
	[tilespmem:$0x18100] =	vst v63  }
0x1cd: {  	s22 =	simm.s32 $0x7100  }
0x1ce: {  	[tilespmem:s22], [sflag:$0x1] =	stream.indirect_vreg.gather [hbm4b:s10+s3], $0x80, v3, vm0, $0xb8;
	[tilespmem:$0x18100] =	vst v63  }
0x1cf: {  	s22 =	simm.s32 $0x7900  }
0x1d0: {  	[tilespmem:s22], [sflag:$0x1] =	stream.indirect_vreg.gather [hbm4b:s11+s3], $0x80, v3, vm0, $0xb8;
	[tilespmem:$0x18100] =	vst v63  }
0x1d1: {  	_ =	swait.ge [sflag:s15], $0x8000  }
0x1d2: {  	[sflag:s15] =	ssyncset.done $0x0  }
0x1d3: {  	s22 =	rddreg [dreg:$0xc];
	[sflag:s15] =	ssyncadd.s32 $0xFFFF8000  }
0x1d4: {  	[hbm4b:s22+s3] =	stream.linear.scatter [tilespmem:s12], [sflag:$0x6], $0x8000, $0x38;
	[tilespmem:$0x18100] =	vst v63  }
0x1d5: {  	_ =	swait.ge [sflag:s16], $0x8000  }
0x1d6: {  	[sflag:s16] =	ssyncset.done $0x0  }
0x1d7: {  	[sflag:s16] =	ssyncadd.s32 $0xFFFF8000  }
0x1d8: {  	v3 =	vld [tilespmem:$0xA0];
	_ =	sdelay $0x4  }
0x1d9: {  	v58 =	vshll.u32 v3, $0x4  }
0x1da: {  	v3 =	vand.u32 $0x7, v3;
	v4 =	vand.u32 $0xFFFFFF80, v58  }
0x1db: {  	v3 =	vor.u32 v3, v4  }
0x1dc: {  	v4 =	vperm.xlane v3, v0;
	_ =	sdelay $0x1  }
0x1dd: {  	v4 =	vadd.s32 v1, v4;
	_ =	sdelay $0x4  }
0x1de: {  	[tilespmem:s1], [sflag:$0x2] =	stream.indirect_vreg.gather [hbm4b:s2+s3], $0x80, v4, vm0, $0xb8;
	[tilespmem:$0x18100] =	vst v63  }
0x1df: {  	s14 =	simm.s32 $0x8900  }
0x1e0: {  	[tilespmem:s14], [sflag:$0x2] =	stream.indirect_vreg.gather [hbm4b:s5+s3], $0x80, v4, vm0, $0xb8;
	[tilespmem:$0x18100] =	vst v63  }
0x1e1: {  	s23 =	simm.s32 $0x9100  }
0x1e2: {  	[tilespmem:s23], [sflag:$0x2] =	stream.indirect_vreg.gather [hbm4b:s6+s3], $0x80, v4, vm0, $0xb8;
	[tilespmem:$0x18100] =	vst v63  }
0x1e3: {  	s24 =	simm.s32 $0x9900  }
0x1e4: {  	[tilespmem:s24], [sflag:$0x2] =	stream.indirect_vreg.gather [hbm4b:s7+s3], $0x80, v4, vm0, $0xb8;
	[tilespmem:$0x18100] =	vst v63  }
0x1e5: {  	s19 =	simm.s32 $0xA100  }
0x1e6: {  	[tilespmem:s19], [sflag:$0x2] =	stream.indirect_vreg.gather [hbm4b:s8+s3], $0x80, v4, vm0, $0xb8;
	[tilespmem:$0x18100] =	vst v63  }
0x1e7: {  	v3 =	vperm.xlane v3, v2;
	s24 =	simm.s32 $0xA900  }
0x1e8: {  	[tilespmem:s24], [sflag:$0x2] =	stream.indirect_vreg.gather [hbm4b:s9+s3], $0x80, v4, vm0, $0xb8;
	[tilespmem:$0x18100] =	vst v63  }
0x1e9: {  	s25 =	simm.s32 $0xB100;
	v3 =	vadd.s32 v1, v3  }
0x1ea: {  	[tilespmem:s25], [sflag:$0x2] =	stream.indirect_vreg.gather [hbm4b:s10+s3], $0x80, v4, vm0, $0xb8;
	[tilespmem:$0x18100] =	vst v63  }
0x1eb: {  	s26 =	simm.s32 $0xB900  }
0x1ec: {  	[tilespmem:s26], [sflag:$0x2] =	stream.indirect_vreg.gather [hbm4b:s11+s3], $0x80, v4, vm0, $0xb8;
	[tilespmem:$0x18100] =	vst v63  }
0x1ed: {  	s28 =	simm.s32 $0xC100  }
0x1ee: {  	[tilespmem:s28], [sflag:$0x2] =	stream.indirect_vreg.gather [hbm4b:s2+s3], $0x80, v3, vm0, $0xb8;
	[tilespmem:$0x18100] =	vst v63  }
0x1ef: {  	s29 =	simm.s32 $0xC900  }
0x1f0: {  	[tilespmem:s29], [sflag:$0x2] =	stream.indirect_vreg.gather [hbm4b:s5+s3], $0x80, v3, vm0, $0xb8;
	[tilespmem:$0x18100] =	vst v63  }
0x1f1: {  	s30 =	simm.s32 $0xD100  }
0x1f2: {  	[tilespmem:s30], [sflag:$0x2] =	stream.indirect_vreg.gather [hbm4b:s6+s3], $0x80, v3, vm0, $0xb8;
	[tilespmem:$0x18100] =	vst v63  }
0x1f3: {  	s31 =	simm.s32 $0xD900  }
0x1f4: {  	[tilespmem:s31], [sflag:$0x2] =	stream.indirect_vreg.gather [hbm4b:s7+s3], $0x80, v3, vm0, $0xb8;
	[tilespmem:$0x18100] =	vst v63  }
0x1f5: {  	s31 =	simm.s32 $0xE100  }
0x1f6: {  	[tilespmem:s31], [sflag:$0x2] =	stream.indirect_vreg.gather [hbm4b:s8+s3], $0x80, v3, vm0, $0xb8;
	[tilespmem:$0x18100] =	vst v63  }
0x1f7: {  	s18 =	simm.s32 $0xE900  }
0x1f8: {  	[tilespmem:s18], [sflag:$0x2] =	stream.indirect_vreg.gather [hbm4b:s9+s3], $0x80, v3, vm0, $0xb8;
	[tilespmem:$0x18100] =	vst v63  }
0x1f9: {  	s21 =	simm.s32 $0xF100  }
0x1fa: {  	[tilespmem:s21], [sflag:$0x2] =	stream.indirect_vreg.gather [hbm4b:s10+s3], $0x80, v3, vm0, $0xb8;
	[tilespmem:$0x18100] =	vst v63  }
0x1fb: {  	s18 =	simm.s32 $0xF900  }
0x1fc: {  	[tilespmem:s18], [sflag:$0x2] =	stream.indirect_vreg.gather [hbm4b:s11+s3], $0x80, v3, vm0, $0xb8;
	[tilespmem:$0x18100] =	vst v63  }
0x1fd: {  	_ =	swait.ge [sflag:s0], $0x8000  }
0x1fe: {  	[sflag:s0] =	ssyncset.done $0x0  }
0x1ff: {  	s18 =	rddreg [dreg:$0xd];
	[sflag:s0] =	ssyncadd.s32 $0xFFFF8000  }
0x200: {  	[hbm4b:s18+s3] =	stream.linear.scatter [tilespmem:s20], [sflag:$0x4], $0x8000, $0x38;
	[tilespmem:$0x18100] =	vst v63  }
0x201: {  	_ =	swait.ge [sflag:s17], $0x8000  }
0x202: {  	[sflag:s17] =	ssyncset.done $0x0  }
0x203: {  	[sflag:s17] =	ssyncadd.s32 $0xFFFF8000  }
0x204: {  	v3 =	vld [tilespmem:$0xB0];
	_ =	sdelay $0x4  }
0x205: {  	v59 =	vshll.u32 v3, $0x4  }
0x206: {  	v3 =	vand.u32 $0x7, v3;
	v4 =	vand.u32 $0xFFFFFF80, v59  }
0x207: {  	v3 =	vor.u32 v3, v4  }
0x208: {  	v4 =	vperm.xlane v3, v0;
	_ =	sdelay $0x1  }
0x209: {  	v4 =	vadd.s32 v1, v4;
	_ =	sdelay $0x4  }
0x20a: {  	[tilespmem:s12], [sflag:$0x3] =	stream.indirect_vreg.gather [hbm4b:s2+s3], $0x80, v4, vm0, $0xb8;
	[tilespmem:$0x18100] =	vst v63  }
0x20b: {  	s18 =	simm.s32 $0x10900  }
0x20c: {  	[tilespmem:s18], [sflag:$0x3] =	stream.indirect_vreg.gather [hbm4b:s5+s3], $0x80, v4, vm0, $0xb8;
	[tilespmem:$0x18100] =	vst v63  }
0x20d: {  	s18 =	simm.s32 $0x11100  }
0x20e: {  	[tilespmem:s18], [sflag:$0x3] =	stream.indirect_vreg.gather [hbm4b:s6+s3], $0x80, v4, vm0, $0xb8;
	[tilespmem:$0x18100] =	vst v63  }
0x20f: {  	s18 =	simm.s32 $0x11900  }
0x210: {  	[tilespmem:s18], [sflag:$0x3] =	stream.indirect_vreg.gather [hbm4b:s7+s3], $0x80, v4, vm0, $0xb8;
	[tilespmem:$0x18100] =	vst v63  }
0x211: {  	s18 =	simm.s32 $0x12100  }
0x212: {  	[tilespmem:s18], [sflag:$0x3] =	stream.indirect_vreg.gather [hbm4b:s8+s3], $0x80, v4, vm0, $0xb8;
	[tilespmem:$0x18100] =	vst v63  }
0x213: {  	v3 =	vperm.xlane v3, v2;
	s18 =	simm.s32 $0x12900  }
0x214: {  	[tilespmem:s18], [sflag:$0x3] =	stream.indirect_vreg.gather [hbm4b:s9+s3], $0x80, v4, vm0, $0xb8;
	[tilespmem:$0x18100] =	vst v63  }
0x215: {  	v3 =	vadd.s32 v1, v3;
	s18 =	simm.s32 $0x13100  }
0x216: {  	[tilespmem:s18], [sflag:$0x3] =	stream.indirect_vreg.gather [hbm4b:s10+s3], $0x80, v4, vm0, $0xb8;
	[tilespmem:$0x18100] =	vst v63  }
0x217: {  	s18 =	simm.s32 $0x13900  }
0x218: {  	[tilespmem:s18], [sflag:$0x3] =	stream.indirect_vreg.gather [hbm4b:s11+s3], $0x80, v4, vm0, $0xb8;
	[tilespmem:$0x18100] =	vst v63  }
0x219: {  	s18 =	simm.s32 $0x14100  }
0x21a: {  	[tilespmem:s18], [sflag:$0x3] =	stream.indirect_vreg.gather [hbm4b:s2+s3], $0x80, v3, vm0, $0xb8;
	[tilespmem:$0x18100] =	vst v63  }
0x21b: {  	s18 =	simm.s32 $0x14900  }
0x21c: {  	[tilespmem:s18], [sflag:$0x3] =	stream.indirect_vreg.gather [hbm4b:s5+s3], $0x80, v3, vm0, $0xb8;
	[tilespmem:$0x18100] =	vst v63  }
0x21d: {  	s18 =	simm.s32 $0x15100  }
0x21e: {  	[tilespmem:s18], [sflag:$0x3] =	stream.indirect_vreg.gather [hbm4b:s6+s3], $0x80, v3, vm0, $0xb8;
	[tilespmem:$0x18100] =	vst v63  }
0x21f: {  	s18 =	simm.s32 $0x15900  }
0x220: {  	[tilespmem:s18], [sflag:$0x3] =	stream.indirect_vreg.gather [hbm4b:s7+s3], $0x80, v3, vm0, $0xb8;
	[tilespmem:$0x18100] =	vst v63  }
0x221: {  	s18 =	simm.s32 $0x16100  }
0x222: {  	[tilespmem:s18], [sflag:$0x3] =	stream.indirect_vreg.gather [hbm4b:s8+s3], $0x80, v3, vm0, $0xb8;
	[tilespmem:$0x18100] =	vst v63  }
0x223: {  	s18 =	simm.s32 $0x16900  }
0x224: {  	[tilespmem:s18], [sflag:$0x3] =	stream.indirect_vreg.gather [hbm4b:s9+s3], $0x80, v3, vm0, $0xb8;
	[tilespmem:$0x18100] =	vst v63  }
0x225: {  	s18 =	simm.s32 $0x17100  }
0x226: {  	[tilespmem:s18], [sflag:$0x3] =	stream.indirect_vreg.gather [hbm4b:s10+s3], $0x80, v3, vm0, $0xb8;
	[tilespmem:$0x18100] =	vst v63  }
0x227: {  	s18 =	simm.s32 $0x17900  }
0x228: {  	[tilespmem:s18], [sflag:$0x3] =	stream.indirect_vreg.gather [hbm4b:s11+s3], $0x80, v3, vm0, $0xb8;
	[tilespmem:$0x18100] =	vst v63  }
0x229: {  	_ =	swait.ge [sflag:s13], $0x8000  }
0x22a: {  	[sflag:s13] =	ssyncset.done $0x0  }
0x22b: {  	s18 =	rddreg [dreg:$0xe];
	[sflag:s13] =	ssyncadd.s32 $0xFFFF8000  }
0x22c: {  	[hbm4b:s18+s3] =	stream.linear.scatter [tilespmem:s1], [sflag:$0x5], $0x8000, $0x38;
	[tilespmem:$0x18100] =	vst v63  }
0x22d: {  	_ =	swait.ge [sflag:s4], $0x8000  }
0x22e: {  	[sflag:s4] =	ssyncset.done $0x0  }
0x22f: {  	[sflag:s4] =	ssyncadd.s32 $0xFFFF8000  }
0x230: {  	v3 =	vld [tilespmem:$0xC0];
	_ =	sdelay $0x4  }
0x231: {  	v60 =	vshll.u32 v3, $0x4  }
0x232: {  	v3 =	vand.u32 $0x7, v3;
	v4 =	vand.u32 $0xFFFFFF80, v60  }
0x233: {  	v3 =	vor.u32 v3, v4  }
0x234: {  	v4 =	vperm.xlane v3, v0;
	_ =	sdelay $0x1  }
0x235: {  	v4 =	vadd.s32 v1, v4;
	_ =	sdelay $0x4  }
0x236: {  	[tilespmem:s20], [sflag:$0x1] =	stream.indirect_vreg.gather [hbm4b:s2+s3], $0x80, v4, vm0, $0xb8;
	[tilespmem:$0x18100] =	vst v63  }
0x237: {  	s18 =	simm.s32 $0x900  }
0x238: {  	[tilespmem:s18], [sflag:$0x1] =	stream.indirect_vreg.gather [hbm4b:s5+s3], $0x80, v4, vm0, $0xb8;
	[tilespmem:$0x18100] =	vst v63  }
0x239: {  	s18 =	simm.s32 $0x1100  }
0x23a: {  	[tilespmem:s18], [sflag:$0x1] =	stream.indirect_vreg.gather [hbm4b:s6+s3], $0x80, v4, vm0, $0xb8;
	[tilespmem:$0x18100] =	vst v63  }
0x23b: {  	s18 =	simm.s32 $0x1900  }
0x23c: {  	[tilespmem:s18], [sflag:$0x1] =	stream.indirect_vreg.gather [hbm4b:s7+s3], $0x80, v4, vm0, $0xb8;
	[tilespmem:$0x18100] =	vst v63  }
0x23d: {  	s18 =	simm.s32 $0x2100  }
0x23e: {  	[tilespmem:s18], [sflag:$0x1] =	stream.indirect_vreg.gather [hbm4b:s8+s3], $0x80, v4, vm0, $0xb8;
	[tilespmem:$0x18100] =	vst v63  }
0x23f: {  	v3 =	vperm.xlane v3, v2;
	s18 =	simm.s32 $0x2900  }
0x240: {  	[tilespmem:s18], [sflag:$0x1] =	stream.indirect_vreg.gather [hbm4b:s9+s3], $0x80, v4, vm0, $0xb8;
	[tilespmem:$0x18100] =	vst v63  }
0x241: {  	v3 =	vadd.s32 v1, v3;
	s18 =	simm.s32 $0x3100  }
0x242: {  	[tilespmem:s18], [sflag:$0x1] =	stream.indirect_vreg.gather [hbm4b:s10+s3], $0x80, v4, vm0, $0xb8;
	[tilespmem:$0x18100] =	vst v63  }
0x243: {  	s18 =	simm.s32 $0x3900  }
0x244: {  	[tilespmem:s18], [sflag:$0x1] =	stream.indirect_vreg.gather [hbm4b:s11+s3], $0x80, v4, vm0, $0xb8;
	[tilespmem:$0x18100] =	vst v63  }
0x245: {  	s18 =	simm.s32 $0x4100  }
0x246: {  	[tilespmem:s18], [sflag:$0x1] =	stream.indirect_vreg.gather [hbm4b:s2+s3], $0x80, v3, vm0, $0xb8;
	[tilespmem:$0x18100] =	vst v63  }
0x247: {  	s18 =	simm.s32 $0x4900  }
0x248: {  	[tilespmem:s18], [sflag:$0x1] =	stream.indirect_vreg.gather [hbm4b:s5+s3], $0x80, v3, vm0, $0xb8;
	[tilespmem:$0x18100] =	vst v63  }
0x249: {  	s18 =	simm.s32 $0x5100  }
0x24a: {  	[tilespmem:s18], [sflag:$0x1] =	stream.indirect_vreg.gather [hbm4b:s6+s3], $0x80, v3, vm0, $0xb8;
	[tilespmem:$0x18100] =	vst v63  }
0x24b: {  	s18 =	simm.s32 $0x5900  }
0x24c: {  	[tilespmem:s18], [sflag:$0x1] =	stream.indirect_vreg.gather [hbm4b:s7+s3], $0x80, v3, vm0, $0xb8;
	[tilespmem:$0x18100] =	vst v63  }
0x24d: {  	s18 =	simm.s32 $0x6100  }
0x24e: {  	[tilespmem:s18], [sflag:$0x1] =	stream.indirect_vreg.gather [hbm4b:s8+s3], $0x80, v3, vm0, $0xb8;
	[tilespmem:$0x18100] =	vst v63  }
0x24f: {  	s18 =	simm.s32 $0x6900  }
0x250: {  	[tilespmem:s18], [sflag:$0x1] =	stream.indirect_vreg.gather [hbm4b:s9+s3], $0x80, v3, vm0, $0xb8;
	[tilespmem:$0x18100] =	vst v63  }
0x251: {  	s18 =	simm.s32 $0x7100  }
0x252: {  	[tilespmem:s18], [sflag:$0x1] =	stream.indirect_vreg.gather [hbm4b:s10+s3], $0x80, v3, vm0, $0xb8;
	[tilespmem:$0x18100] =	vst v63  }
0x253: {  	s18 =	simm.s32 $0x7900  }
0x254: {  	[tilespmem:s18], [sflag:$0x1] =	stream.indirect_vreg.gather [hbm4b:s11+s3], $0x80, v3, vm0, $0xb8;
	[tilespmem:$0x18100] =	vst v63  }
0x255: {  	_ =	swait.ge [sflag:s15], $0x8000  }
0x256: {  	[sflag:s15] =	ssyncset.done $0x0  }
0x257: {  	s18 =	rddreg [dreg:$0xf];
	[sflag:s15] =	ssyncadd.s32 $0xFFFF8000  }
0x258: {  	[hbm4b:s18+s3] =	stream.linear.scatter [tilespmem:s12], [sflag:$0x6], $0x8000, $0x38;
	[tilespmem:$0x18100] =	vst v63  }
0x259: {  	_ =	swait.ge [sflag:s16], $0x8000  }
0x25a: {  	[sflag:s16] =	ssyncset.done $0x0  }
0x25b: {  	[sflag:s16] =	ssyncadd.s32 $0xFFFF8000  }
0x25c: {  	v3 =	vld [tilespmem:$0xD0];
	_ =	sdelay $0x4  }
0x25d: {  	v61 =	vshll.u32 v3, $0x4  }
0x25e: {  	v3 =	vand.u32 $0x7, v3;
	v4 =	vand.u32 $0xFFFFFF80, v61  }
0x25f: {  	v3 =	vor.u32 v3, v4  }
0x260: {  	v4 =	vperm.xlane v3, v0;
	_ =	sdelay $0x1  }
0x261: {  	v4 =	vadd.s32 v1, v4;
	_ =	sdelay $0x4  }
0x262: {  	[tilespmem:s1], [sflag:$0x2] =	stream.indirect_vreg.gather [hbm4b:s2+s3], $0x80, v4, vm0, $0xb8;
	[tilespmem:$0x18100] =	vst v63  }
0x263: {  	s14 =	simm.s32 $0x8900  }
0x264: {  	[tilespmem:s14], [sflag:$0x2] =	stream.indirect_vreg.gather [hbm4b:s5+s3], $0x80, v4, vm0, $0xb8;
	[tilespmem:$0x18100] =	vst v63  }
0x265: {  	s22 =	simm.s32 $0x9100  }
0x266: {  	[tilespmem:s22], [sflag:$0x2] =	stream.indirect_vreg.gather [hbm4b:s6+s3], $0x80, v4, vm0, $0xb8;
	[tilespmem:$0x18100] =	vst v63  }
0x267: {  	s23 =	simm.s32 $0x9900  }
0x268: {  	[tilespmem:s23], [sflag:$0x2] =	stream.indirect_vreg.gather [hbm4b:s7+s3], $0x80, v4, vm0, $0xb8;
	[tilespmem:$0x18100] =	vst v63  }
0x269: {  	s19 =	simm.s32 $0xA100  }
0x26a: {  	[tilespmem:s19], [sflag:$0x2] =	stream.indirect_vreg.gather [hbm4b:s8+s3], $0x80, v4, vm0, $0xb8;
	[tilespmem:$0x18100] =	vst v63  }
0x26b: {  	v3 =	vperm.xlane v3, v2;
	s23 =	simm.s32 $0xA900  }
0x26c: {  	[tilespmem:s23], [sflag:$0x2] =	stream.indirect_vreg.gather [hbm4b:s9+s3], $0x80, v4, vm0, $0xb8;
	[tilespmem:$0x18100] =	vst v63  }
0x26d: {  	s24 =	simm.s32 $0xB100;
	v3 =	vadd.s32 v1, v3  }
0x26e: {  	[tilespmem:s24], [sflag:$0x2] =	stream.indirect_vreg.gather [hbm4b:s10+s3], $0x80, v4, vm0, $0xb8;
	[tilespmem:$0x18100] =	vst v63  }
0x26f: {  	s25 =	simm.s32 $0xB900  }
0x270: {  	[tilespmem:s25], [sflag:$0x2] =	stream.indirect_vreg.gather [hbm4b:s11+s3], $0x80, v4, vm0, $0xb8;
	[tilespmem:$0x18100] =	vst v63  }
0x271: {  	s26 =	simm.s32 $0xC100  }
0x272: {  	[tilespmem:s26], [sflag:$0x2] =	stream.indirect_vreg.gather [hbm4b:s2+s3], $0x80, v3, vm0, $0xb8;
	[tilespmem:$0x18100] =	vst v63  }
0x273: {  	s28 =	simm.s32 $0xC900  }
0x274: {  	[tilespmem:s28], [sflag:$0x2] =	stream.indirect_vreg.gather [hbm4b:s5+s3], $0x80, v3, vm0, $0xb8;
	[tilespmem:$0x18100] =	vst v63  }
0x275: {  	s29 =	simm.s32 $0xD100  }
0x276: {  	[tilespmem:s29], [sflag:$0x2] =	stream.indirect_vreg.gather [hbm4b:s6+s3], $0x80, v3, vm0, $0xb8;
	[tilespmem:$0x18100] =	vst v63  }
0x277: {  	s30 =	simm.s32 $0xD900  }
0x278: {  	[tilespmem:s30], [sflag:$0x2] =	stream.indirect_vreg.gather [hbm4b:s7+s3], $0x80, v3, vm0, $0xb8;
	[tilespmem:$0x18100] =	vst v63  }
0x279: {  	s31 =	simm.s32 $0xE100  }
0x27a: {  	[tilespmem:s31], [sflag:$0x2] =	stream.indirect_vreg.gather [hbm4b:s8+s3], $0x80, v3, vm0, $0xb8;
	[tilespmem:$0x18100] =	vst v63  }
0x27b: {  	s18 =	simm.s32 $0xE900  }
0x27c: {  	[tilespmem:s18], [sflag:$0x2] =	stream.indirect_vreg.gather [hbm4b:s9+s3], $0x80, v3, vm0, $0xb8;
	[tilespmem:$0x18100] =	vst v63  }
0x27d: {  	s21 =	simm.s32 $0xF100  }
0x27e: {  	[tilespmem:s21], [sflag:$0x2] =	stream.indirect_vreg.gather [hbm4b:s10+s3], $0x80, v3, vm0, $0xb8;
	[tilespmem:$0x18100] =	vst v63  }
0x27f: {  	s19 =	simm.s32 $0xF900  }
0x280: {  	[tilespmem:s19], [sflag:$0x2] =	stream.indirect_vreg.gather [hbm4b:s11+s3], $0x80, v3, vm0, $0xb8;
	[tilespmem:$0x18100] =	vst v63  }
0x281: {  	_ =	swait.ge [sflag:s0], $0x8000  }
0x282: {  	[sflag:s0] =	ssyncset.done $0x0  }
0x283: {  	s21 =	rddreg [dreg:$0x10];
	[sflag:s0] =	ssyncadd.s32 $0xFFFF8000  }
0x284: {  	[hbm4b:s21+s3] =	stream.linear.scatter [tilespmem:s20], [sflag:$0x4], $0x8000, $0x38;
	[tilespmem:$0x18100] =	vst v63  }
0x285: {  	_ =	swait.ge [sflag:s17], $0x8000  }
0x286: {  	[sflag:s17] =	ssyncset.done $0x0  }
0x287: {  	[sflag:s17] =	ssyncadd.s32 $0xFFFF8000  }
0x288: {  	v3 =	vld [tilespmem:$0xE0];
	_ =	sdelay $0x4  }
0x289: {  	v62 =	vshll.u32 v3, $0x4  }
0x28a: {  	v3 =	vand.u32 $0x7, v3;
	v4 =	vand.u32 $0xFFFFFF80, v62  }
0x28b: {  	v3 =	vor.u32 v3, v4  }
0x28c: {  	v4 =	vperm.xlane v3, v0;
	_ =	sdelay $0x1  }
0x28d: {  	v4 =	vadd.s32 v1, v4;
	_ =	sdelay $0x4  }
0x28e: {  	[tilespmem:s12], [sflag:$0x3] =	stream.indirect_vreg.gather [hbm4b:s2+s3], $0x80, v4, vm0, $0xb8;
	[tilespmem:$0x18100] =	vst v63  }
0x28f: {  	s22 =	simm.s32 $0x10900  }
0x290: {  	[tilespmem:s22], [sflag:$0x3] =	stream.indirect_vreg.gather [hbm4b:s5+s3], $0x80, v4, vm0, $0xb8;
	[tilespmem:$0x18100] =	vst v63  }
0x291: {  	s23 =	simm.s32 $0x11100  }
0x292: {  	[tilespmem:s23], [sflag:$0x3] =	stream.indirect_vreg.gather [hbm4b:s6+s3], $0x80, v4, vm0, $0xb8;
	[tilespmem:$0x18100] =	vst v63  }
0x293: {  	s24 =	simm.s32 $0x11900  }
0x294: {  	[tilespmem:s24], [sflag:$0x3] =	stream.indirect_vreg.gather [hbm4b:s7+s3], $0x80, v4, vm0, $0xb8;
	[tilespmem:$0x18100] =	vst v63  }
0x295: {  	s25 =	simm.s32 $0x12100  }
0x296: {  	[tilespmem:s25], [sflag:$0x3] =	stream.indirect_vreg.gather [hbm4b:s8+s3], $0x80, v4, vm0, $0xb8;
	[tilespmem:$0x18100] =	vst v63  }
0x297: {  	s26 =	simm.s32 $0x12900;
	v3 =	vperm.xlane v3, v2  }
0x298: {  	[tilespmem:s26], [sflag:$0x3] =	stream.indirect_vreg.gather [hbm4b:s9+s3], $0x80, v4, vm0, $0xb8;
	[tilespmem:$0x18100] =	vst v63  }
0x299: {  	s28 =	simm.s32 $0x13100;
	v3 =	vadd.s32 v1, v3  }
0x29a: {  	[tilespmem:s28], [sflag:$0x3] =	stream.indirect_vreg.gather [hbm4b:s10+s3], $0x80, v4, vm0, $0xb8;
	[tilespmem:$0x18100] =	vst v63  }
0x29b: {  	s29 =	simm.s32 $0x13900  }
0x29c: {  	[tilespmem:s29], [sflag:$0x3] =	stream.indirect_vreg.gather [hbm4b:s11+s3], $0x80, v4, vm0, $0xb8;
	[tilespmem:$0x18100] =	vst v63  }
0x29d: {  	s30 =	simm.s32 $0x14100  }
0x29e: {  	[tilespmem:s30], [sflag:$0x3] =	stream.indirect_vreg.gather [hbm4b:s2+s3], $0x80, v3, vm0, $0xb8;
	[tilespmem:$0x18100] =	vst v63  }
0x29f: {  	s31 =	simm.s32 $0x14900  }
0x2a0: {  	[tilespmem:s31], [sflag:$0x3] =	stream.indirect_vreg.gather [hbm4b:s5+s3], $0x80, v3, vm0, $0xb8;
	[tilespmem:$0x18100] =	vst v63  }
0x2a1: {  	s18 =	simm.s32 $0x15100  }
0x2a2: {  	[tilespmem:s18], [sflag:$0x3] =	stream.indirect_vreg.gather [hbm4b:s6+s3], $0x80, v3, vm0, $0xb8;
	[tilespmem:$0x18100] =	vst v63  }
0x2a3: {  	s19 =	simm.s32 $0x15900  }
0x2a4: {  	[tilespmem:s19], [sflag:$0x3] =	stream.indirect_vreg.gather [hbm4b:s7+s3], $0x80, v3, vm0, $0xb8;
	[tilespmem:$0x18100] =	vst v63  }
0x2a5: {  	s21 =	simm.s32 $0x16100  }
0x2a6: {  	[tilespmem:s21], [sflag:$0x3] =	stream.indirect_vreg.gather [hbm4b:s8+s3], $0x80, v3, vm0, $0xb8;
	[tilespmem:$0x18100] =	vst v63  }
0x2a7: {  	s22 =	simm.s32 $0x16900  }
0x2a8: {  	[tilespmem:s22], [sflag:$0x3] =	stream.indirect_vreg.gather [hbm4b:s9+s3], $0x80, v3, vm0, $0xb8;
	[tilespmem:$0x18100] =	vst v63  }
0x2a9: {  	s23 =	simm.s32 $0x17100  }
0x2aa: {  	[tilespmem:s23], [sflag:$0x3] =	stream.indirect_vreg.gather [hbm4b:s10+s3], $0x80, v3, vm0, $0xb8;
	[tilespmem:$0x18100] =	vst v63  }
0x2ab: {  	s24 =	simm.s32 $0x17900  }
0x2ac: {  	[tilespmem:s24], [sflag:$0x3] =	stream.indirect_vreg.gather [hbm4b:s11+s3], $0x80, v3, vm0, $0xb8;
	[tilespmem:$0x18100] =	vst v63  }
0x2ad: {  	_ =	swait.ge [sflag:s13], $0x8000  }
0x2ae: {  	[sflag:s13] =	ssyncset.done $0x0  }
0x2af: {  	s25 =	rddreg [dreg:$0x11];
	[sflag:s13] =	ssyncadd.s32 $0xFFFF8000  }
0x2b0: {  	[hbm4b:s25+s3] =	stream.linear.scatter [tilespmem:s1], [sflag:$0x5], $0x8000, $0x38;
	[tilespmem:$0x18100] =	vst v63  }
0x2b1: {  	_ =	swait.ge [sflag:s4], $0x8000  }
0x2b2: {  	[sflag:s4] =	ssyncset.done $0x0  }
0x2b3: {  	[sflag:s4] =	ssyncadd.s32 $0xFFFF8000  }
0x2b4: {  	v3 =	vld [tilespmem:$0xF0];
	_ =	sdelay $0x4  }
0x2b5: {  	v63 =	vshll.u32 v3, $0x4  }
0x2b6: {  	v3 =	vand.u32 $0x7, v3;
	v4 =	vand.u32 $0xFFFFFF80, v63  }
0x2b7: {  	v3 =	vor.u32 v3, v4  }
0x2b8: {  	v4 =	vperm.xlane v3, v0;
	_ =	sdelay $0x1  }
0x2b9: {  	v4 =	vadd.s32 v1, v4;
	_ =	sdelay $0x4  }
0x2ba: {  	[tilespmem:s20], [sflag:$0x1] =	stream.indirect_vreg.gather [hbm4b:s2+s3], $0x80, v4, vm0, $0xb8;
	[tilespmem:$0x18100] =	vst v63  }
0x2bb: {  	s26 =	simm.s32 $0x900  }
0x2bc: {  	[tilespmem:s26], [sflag:$0x1] =	stream.indirect_vreg.gather [hbm4b:s5+s3], $0x80, v4, vm0, $0xb8;
	[tilespmem:$0x18100] =	vst v63  }
0x2bd: {  	s28 =	simm.s32 $0x1100  }
0x2be: {  	[tilespmem:s28], [sflag:$0x1] =	stream.indirect_vreg.gather [hbm4b:s6+s3], $0x80, v4, vm0, $0xb8;
	[tilespmem:$0x18100] =	vst v63  }
0x2bf: {  	s29 =	simm.s32 $0x1900  }
0x2c0: {  	[tilespmem:s29], [sflag:$0x1] =	stream.indirect_vreg.gather [hbm4b:s7+s3], $0x80, v4, vm0, $0xb8;
	[tilespmem:$0x18100] =	vst v63  }
0x2c1: {  	s30 =	simm.s32 $0x2100  }
0x2c2: {  	[tilespmem:s30], [sflag:$0x1] =	stream.indirect_vreg.gather [hbm4b:s8+s3], $0x80, v4, vm0, $0xb8;
	[tilespmem:$0x18100] =	vst v63  }
0x2c3: {  	s31 =	simm.s32 $0x2900;
	v3 =	vperm.xlane v3, v2  }
0x2c4: {  	[tilespmem:s31], [sflag:$0x1] =	stream.indirect_vreg.gather [hbm4b:s9+s3], $0x80, v4, vm0, $0xb8;
	[tilespmem:$0x18100] =	vst v63  }
0x2c5: {  	s14 =	simm.s32 $0x3100;
	v3 =	vadd.s32 v1, v3  }
0x2c6: {  	[tilespmem:s14], [sflag:$0x1] =	stream.indirect_vreg.gather [hbm4b:s10+s3], $0x80, v4, vm0, $0xb8;
	[tilespmem:$0x18100] =	vst v63  }
0x2c7: {  	s18 =	simm.s32 $0x3900  }
0x2c8: {  	[tilespmem:s18], [sflag:$0x1] =	stream.indirect_vreg.gather [hbm4b:s11+s3], $0x80, v4, vm0, $0xb8;
	[tilespmem:$0x18100] =	vst v63  }
0x2c9: {  	s19 =	simm.s32 $0x4100  }
0x2ca: {  	[tilespmem:s19], [sflag:$0x1] =	stream.indirect_vreg.gather [hbm4b:s2+s3], $0x80, v3, vm0, $0xb8;
	[tilespmem:$0x18100] =	vst v63  }
0x2cb: {  	s21 =	simm.s32 $0x4900  }
0x2cc: {  	[tilespmem:s21], [sflag:$0x1] =	stream.indirect_vreg.gather [hbm4b:s5+s3], $0x80, v3, vm0, $0xb8;
	[tilespmem:$0x18100] =	vst v63  }
0x2cd: {  	s22 =	simm.s32 $0x5100  }
0x2ce: {  	[tilespmem:s22], [sflag:$0x1] =	stream.indirect_vreg.gather [hbm4b:s6+s3], $0x80, v3, vm0, $0xb8;
	[tilespmem:$0x18100] =	vst v63  }
0x2cf: {  	s23 =	simm.s32 $0x5900  }
0x2d0: {  	[tilespmem:s23], [sflag:$0x1] =	stream.indirect_vreg.gather [hbm4b:s7+s3], $0x80, v3, vm0, $0xb8;
	[tilespmem:$0x18100] =	vst v63  }
0x2d1: {  	s24 =	simm.s32 $0x6100  }
0x2d2: {  	[tilespmem:s24], [sflag:$0x1] =	stream.indirect_vreg.gather [hbm4b:s8+s3], $0x80, v3, vm0, $0xb8;
	[tilespmem:$0x18100] =	vst v63  }
0x2d3: {  	s25 =	simm.s32 $0x6900  }
0x2d4: {  	[tilespmem:s25], [sflag:$0x1] =	stream.indirect_vreg.gather [hbm4b:s9+s3], $0x80, v3, vm0, $0xb8;
	[tilespmem:$0x18100] =	vst v63  }
0x2d5: {  	s26 =	simm.s32 $0x7100  }
0x2d6: {  	[tilespmem:s26], [sflag:$0x1] =	stream.indirect_vreg.gather [hbm4b:s10+s3], $0x80, v3, vm0, $0xb8;
	[tilespmem:$0x18100] =	vst v63  }
0x2d7: {  	s28 =	simm.s32 $0x7900  }
0x2d8: {  	[tilespmem:s28], [sflag:$0x1] =	stream.indirect_vreg.gather [hbm4b:s11+s3], $0x80, v3, vm0, $0xb8;
	[tilespmem:$0x18100] =	vst v63  }
0x2d9: {  	_ =	swait.ge [sflag:s15], $0x8000  }
0x2da: {  	[sflag:s15] =	ssyncset.done $0x0  }
0x2db: {  	s29 =	rddreg [dreg:$0x12];
	[sflag:s15] =	ssyncadd.s32 $0xFFFF8000  }
0x2dc: {  	[hbm4b:s29+s3] =	stream.linear.scatter [tilespmem:s12], [sflag:$0x6], $0x8000, $0x38;
	[tilespmem:$0x18100] =	vst v63  }
0x2dd: {  	_ =	swait.ge [sflag:s0], $0x8000  }
0x2de: {  	[sflag:s0] =	ssyncset.done $0x0  }
0x2df: {  	s30 =	rddreg [dreg:$0x13];
	[sflag:s0] =	ssyncadd.s32 $0xFFFF8000  }
0x2e0: {  	[hbm4b:s30+s3] =	stream.linear.scatter [tilespmem:s20], [sflag:$0x4], $0x8000, $0x38;
	[tilespmem:$0x18100] =	vst v63  }
0x2e1: {  	s31 =	rddreg [dreg:$0x17];
	_ =	swait.ge [sflag:s16], $0x8000  }
0x2e2: {  	[sflag:s16] =	ssyncset.done $0x0  }
0x2e3: {  	[sflag:s16] =	ssyncadd.s32 $0xFFFF8000  }
0x2e4: {  	p0 =	sne.s32 s31, $0x1;
	_ =	swait.ge [sflag:s17], $0x8000  }
.Ltmp0:
0x2e5: {  	[sflag:s17] =	ssyncset.done $0x0;
	(pc) =	sbr.rel @p0 .LBB2_1-.Ltmp0, $4  }
0x2e6: {  	[sflag:s17] =	ssyncadd.s32 $0xFFFF8000  }
0x2e7: {  	_ =	swait.ge [sflag:s4], $0x8000  }
0x2e8: {  	[sflag:s4] =	ssyncset.done $0x0  }
0x2e9: {  	s12 =	sadd.s32 $0xFFFFFFFF, s31;
	[sflag:s4] =	ssyncadd.s32 $0xFFFF8000  }
0x2ea: {  	_ =	sfence.sel $0x180000  }
0x2eb: {  	[bflag:$0x0] =	sbarrier.arrive $0xFFFF  }
0x2ec: {  	_ =	strace $0x90000047  }
0x2ed: {  	s0 =	stileid.u32;
	[bflag:$0x2] =	sbarrier.arrive $0xFFFF  }
0x2ee: {  	p0 =	sne.s32 s0, $0x0;
	s0 =	rddreg [dreg:$0x3]  }
0x2ef: {  	s0 =	sadd.s32 @!p0 $0x100000, s0  }
0x2f0: {  	[sflag:s0] =	ssyncadd.tile.s32 @!p0 $0x1;
	_ =	shalt  }
.Lfunc_end2:
_tile_overlayer_lowered:
.L_overlay_start_2:
0x2f1: {  	(tag) =	ssettag $0x2  }
0x2f2: {  	s0 =	rddreg [dreg:$0x0];
	s2 =	stileid.u32  }
0x2f3: {  	s1 =	rddreg [dreg:$0x1];
	p0 =	sne.s32 s2, $0x0  }
0x2f4: {  	s3 =	rddreg [dreg:$0x2];
	[bflag:$0x3] =	sbarrier.arrive $0xFFFF;
	s2 =	simm.s32 @!p0 $0x1C07  }
0x2f5: {  	[timem:s3], [sflag:s2] =	dma.local @!p0 [hbm:s0], s1  }
0x2f6: {  	s0 =	simm.s32 @!p0 $0x7  }
0x2f7: {  	_ =	swait.ge @!p0 [sflag:s0], s1  }
0x2f8: {  	s1 =	ssub.s32 @!p0 $0x0, s1;
	[sflag:s0] =	ssyncset.done @!p0 $0x0  }
0x2f9: {  	[sflag:s0] =	ssyncadd.s32 @!p0 s1  }
0x2fa: {  	[bflag:$0x3] =	sbarrier.arrive $0xFFFF  }
0x2fb: {  	_ =	shalt  }

</sc_bundles>
